<compile_context>
chip_gen: v7x
topology: tpu7x:2x2x1
jax: 0.10.2.dev20260603
libtpu: 0.0.44.dev20260713+nightly
codegen_flags: <defaults>
</compile_context>

<pallas_src>
import functools

import jax
import jax.numpy as jnp
from jax import lax
from jax.experimental import pallas as pl
from jax.experimental.pallas import tpu as pltpu
from jax.experimental.pallas import tpu_sc as plsc

TB = 2048
TK = 1024
LANES = 128
_CHUNK = 2736


def _round_bf16(v):
    r = lax.bitcast_convert_type(v, jnp.uint32)
    r = (r + jnp.uint32(0x7FFF) + ((r >> 16) & jnp.uint32(1))) & jnp.uint32(0xFFFF0000)
    return lax.bitcast_convert_type(r, jnp.float32)


def _argmin_body(cb2_ref, cbsq_ref, x16_ref, xsq_ref, idx_ref):
    K = cb2_ref.shape[0]
    x16 = x16_ref[...]
    x_sq = xsq_ref[...]
    n_tiles = K // TK
    cols_per_tile = TK // LANES

    BIGV = jnp.float32(jnp.inf)
    parts = [
        (jnp.full((TB, LANES), BIGV, jnp.float32),
         jnp.zeros((TB, LANES), jnp.int32))
        for _ in range(3)
    ]

    lane_iota = lax.broadcasted_iota(jnp.int32, (TB, LANES), 1)

    def fold_cols(pieces):
        dv, dord = pieces[0][0], jnp.full((TB, LANES), pieces[0][1], jnp.int32)
        for d, o in pieces[1:]:
            take = d < dv
            dv = jnp.where(take, d, dv)
            dord = jnp.where(take, o, dord)
        return dv, dord

    def merge(chunk, dv, dord):
        pv, po = parts[chunk]
        take = dv < pv
        parts[chunk] = (jnp.where(take, dv, pv), jnp.where(take, dord, po))

    for j in range(n_tiles):
        cb2 = cb2_ref[j * TK:(j + 1) * TK, :]
        dots2 = lax.dot_general(x16, cb2, (((1,), (1,)), ((), ())),
                                preferred_element_type=jnp.float32)
        cols = [
            (x_sq - dots2[:, c * LANES:(c + 1) * LANES])
            + cbsq_ref[j * TK + c * LANES:j * TK + (c + 1) * LANES][None, :]
            for c in range(cols_per_tile)
        ]
        ords = [j * cols_per_tile + c for c in range(cols_per_tile)]
        lo_chunk = (j * TK) // _CHUNK
        hi_chunk = ((j + 1) * TK - 1) // _CHUNK
        if lo_chunk == hi_chunk:
            dv, dord = fold_cols(list(zip(cols, ords)))
            merge(lo_chunk, dv, dord)
        else:
            split = (lo_chunk + 1) * _CHUNK - j * TK
            cfull, lrem = split // LANES, split % LANES
            lo_pieces = [(cols[c], ords[c]) for c in range(cfull)]
            hi_pieces = [(cols[c], ords[c]) for c in range(cfull + 1, cols_per_tile)]
            if lrem:
                in_lo = lane_iota < lrem
                lo_pieces.append((jnp.where(in_lo, cols[cfull], BIGV), ords[cfull]))
                hi_pieces.insert(0, (jnp.where(in_lo, BIGV, cols[cfull]), ords[cfull]))
            dv, dord = fold_cols(lo_pieces)
            merge(lo_chunk, dv, dord)
            dv, dord = fold_cols(hi_pieces)
            merge(hi_chunk, dv, dord)

    mins, idxs = [], []
    for c in range(3):
        pv, po = parts[c]
        g = po * LANES + lane_iota
        m = jnp.min(pv, axis=1, keepdims=True)
        gi = jnp.min(jnp.where(pv == m, g, K), axis=1, keepdims=True)
        mins.append(m)
        idxs.append(gi)

    v = _round_bf16(mins[0])
    i = idxs[0]
    for c in (1, 2):
        take = mins[c] < v
        v = _round_bf16(jnp.where(take, mins[c], v))
        i = jnp.where(take, idxs[c], i)
    idx_ref[...] = i[:, 0]


def _argmin_call(x16, x_sq, cb2_16, cb_sq):
    B = x16.shape[0]
    K, C = cb2_16.shape
    return pl.pallas_call(
        _argmin_body,
        grid=(B // TB,),
        in_specs=[
            pl.BlockSpec((K, C), lambda i: (0, 0)),
            pl.BlockSpec((K,), lambda i: (0,)),
            pl.BlockSpec((TB, C), lambda i: (i, 0)),
            pl.BlockSpec((TB, 1), lambda i: (i, 0)),
        ],
        out_specs=pl.BlockSpec((TB,), lambda i: (i,)),
        out_shape=jax.ShapeDtypeStruct((B,), jnp.int32),
        compiler_params=pltpu.CompilerParams(
            dimension_semantics=("parallel",),
        ),
    )(cb2_16, cb_sq, x16, x_sq)


def _gather_call(codebook, idx):
    B = idx.shape[0]
    K, C = codebook.shape
    idx2 = idx.reshape((1, B))
    mesh = plsc.VectorSubcoreMesh(core_axis_name="core",
                                  subcore_axis_name="subcore")
    W = 128

    @functools.partial(
        pl.kernel,
        out_type=jax.ShapeDtypeStruct((B, C), codebook.dtype),
        mesh=mesh,
    )
    def k(cb_hbm, i_hbm, o_hbm):
        def body(i_vmem, o_vmem):
            pltpu.sync_copy(cb_hbm.at[i_vmem.at[0]], o_vmem)

        pltpu.emit_pipeline(
            body,
            grid=(B // W,),
            in_specs=[pl.BlockSpec((1, W), index_map=lambda i: (0, i))],
            out_specs=[pl.BlockSpec((W, C), index_map=lambda i: (i, 0))],
            core_axis_name=("core", "subcore"),
            dimension_semantics=(pltpu.PARALLEL,),
        )(i_hbm, o_hbm)

    return k(codebook, idx2)


def _one_device(x, codebook):
    x_sq = jnp.sum(x * x, axis=-1, keepdims=True)
    cb_sq = jnp.sum(codebook * codebook, axis=-1)
    x16 = x.astype(jnp.bfloat16)
    cb2_16 = codebook.astype(jnp.bfloat16) * 2
    idx = _argmin_call(x16, x_sq, cb2_16, cb_sq)
    quantized = _gather_call(codebook, idx)
    return quantized, idx


def kernel(x, codebook):
    return _one_device(x, codebook)

# --- scband reference (transcript-rebuilt; emitter-appended) ---
"""Pipeline reference for scband-hilbert-58119497449481 (READ-ONLY COPY).

The authoritative reference and input builder live on the scoring server;
editing this copy changes nothing except your own understanding.
"""

import jax, jax.numpy as jnp
import numpy as np

CODEBOOK_SIZE = 8192
CHANNELS = 256


def setup_inputs(seed: int = 0) -> dict:
    key = jax.random.key(seed)
    k1, k2 = jax.random.split(key)
    x = jax.random.normal(k1, (65536, CHANNELS), dtype=jnp.float32)
    # kaiming_uniform_-style init for the codebook parameter
    fan_in = CHANNELS
    gain = float(np.sqrt(2.0))  # default a=sqrt(5) -> gain = sqrt(2/(1+5)) * ... torch uses sqrt(5); emulate bound
    bound = float(np.sqrt(6.0 / fan_in))
    codebook = jax.random.uniform(k2, (CODEBOOK_SIZE, CHANNELS), minval=-bound, maxval=bound, dtype=jnp.float32)
    return {"x": x, "codebook": codebook}


def reference(x, codebook):
    # Standard VQ nearest-codeword quantization (forward of the Hilbert codebook module):
    # squared-L2 distance of every input vector to every codebook entry,
    # argmin over the codebook axis, then gather the selected codewords.
    x_sq = jnp.sum(x * x, axis=-1, keepdims=True)            # [B, 1]
    cb_sq = jnp.sum(codebook * codebook, axis=-1)            # [K]
    dots = x @ codebook.T                                    # [B, K]  (compute-dominant matmul)
    dist = x_sq - 2.0 * dots + cb_sq[None, :]                # [B, K]
    idx = jnp.argmin(dist, axis=-1)                          # [B] int
    quantized = jnp.take(codebook, idx, axis=0)              # gather [B, C]
    return quantized, idx

if __name__ == "__main__":
    import jax
    _d = setup_inputs()
    print(jax.jit(kernel)(*tuple(_d.values())))

</pallas_src>

<mosaic_0001>
#map = affine_map<(d0, d1) -> (0, 0)>
module attributes {stable_mosaic.version = 14 : i64} {
  func.func @k(%arg0: i32, %arg1: i32, %arg2: memref<8192x256xf32, #tpu.memory_space<hbm>>, %arg3: memref<1x65536xi32, #tpu.memory_space<hbm>>, %arg4: memref<65536x256xf32, #tpu.memory_space<hbm>>) attributes {dimension_semantics = [#tpu.dimension_semantics<core_parallel>, #tpu.dimension_semantics<subcore_parallel>], iteration_bounds = array<i64: 2, 16>, scalar_prefetch = 0 : i64, scratch_operands = 0 : i64, tpu.core_type = #tpu.core_type<sc_vector_subcore>, window_params = [{transform_indices = #map}, {transform_indices = #map}, {transform_indices = #map}]} {
    %mul3A = arith.constant 1 : i32
    %mul3A_0 = arith.muli %arg1, %mul3A : i32
    %add3A = arith.constant 0 : i32
    %add3A_1 = arith.addi %add3A, %mul3A_0 : i32
    %mul3A_2 = arith.constant 16 : i32
    %mul3A_3 = arith.muli %arg0, %mul3A_2 : i32
    %add3A_4 = arith.addi %add3A_1, %mul3A_3 : i32
    %mul3A_5 = arith.constant 16 : i32
    %mul3A_6 = arith.muli %add3A_4, %mul3A_5 : i32
    "tpu.region"() ({
      %run_scoped3A = memref.alloca() : memref<2x1x128xi32, #tpu.memory_space<vmem>>
      %run_scoped3A_7 = tpu.sem_alloc : memref<2x!tpu.dma_semaphore, #tpu.memory_space<semaphore_mem>>
      %run_scoped3A_8 = memref.alloca() : memref<2x128x256xf32, #tpu.memory_space<vmem>>
      %run_scoped3A_9 = tpu.sem_alloc : memref<2x!tpu.dma_semaphore, #tpu.memory_space<semaphore_mem>>
      %add3A_10 = arith.constant 0 : i32
      %add3A_11 = arith.addi %add3A_10, %mul3A_6 : i32
      %select_n3A = arith.constant true
      %select_n3A_12 = arith.constant 0 : i32
      %select_n3A_13 = arith.constant -1 : i32
      %select_n3A_14 = arith.select %select_n3A, %select_n3A_13, %select_n3A_12 : i32
      %eq3A = arith.constant -1 : i32
      %eq3A_15 = arith.cmpi eq, %select_n3A_14, %eq3A : i32
      %select_n3A_16 = arith.constant 15 : i32
      %select_n3A_17 = arith.select %eq3A_15, %select_n3A_16, %select_n3A_14 : i32
      %add3A_18 = arith.addi %select_n3A_17, %mul3A_6 : i32
      %select_n3A_19 = arith.constant true
      %select_n3A_20 = arith.constant 0 : i32
      %select_n3A_21 = arith.constant 1 : i32
      %select_n3A_22 = arith.select %select_n3A_19, %select_n3A_21, %select_n3A_20 : i32
      %eq3A_23 = arith.constant 16 : i32
      %eq3A_24 = arith.cmpi eq, %select_n3A_22, %eq3A_23 : i32
      %select_n3A_25 = arith.constant 0 : i32
      %select_n3A_26 = arith.select %eq3A_24, %select_n3A_25, %select_n3A_22 : i32
      %add3A_27 = arith.addi %select_n3A_26, %mul3A_6 : i32
      %add3A_28 = arith.constant 1 : i32
      %add3A_29 = arith.addi %select_n3A_26, %add3A_28 : i32
      %select_n3A_30 = arith.constant true
      %select_n3A_31 = arith.select %select_n3A_30, %add3A_29, %select_n3A_26 : i32
      %eq3A_32 = arith.constant 16 : i32
      %eq3A_33 = arith.cmpi eq, %select_n3A_31, %eq3A_32 : i32
      %select_n3A_34 = arith.constant 0 : i32
      %select_n3A_35 = arith.select %eq3A_33, %select_n3A_34, %select_n3A_31 : i32
      %add3A_36 = arith.addi %select_n3A_35, %mul3A_6 : i32
      "tpu.trace_start"() <{level = 10 : i32, message = "ep_initialize_0"}> : () -> ()
      %rem3A = arith.constant 0 : i32
      %rem3A_37 = arith.constant 2 : i32
      %rem3A_38 = arith.remui %rem3A, %rem3A_37 : i32
      %mul3A_39 = arith.constant 128 : i32
      %mul3A_40 = arith.muli %mul3A_39, %add3A_11 : i32
      %dma_start3A = arith.constant 0 : i32
      %dma_start3A_41 = arith.constant 0 : i32
      %dma_start3A_42 = tpu.memref_slice %run_scoped3A[%rem3A_38, %dma_start3A, %dma_start3A_41] : memref<2x1x128xi32, #tpu.memory_space<vmem>> -> memref<1x1x128xi32, #tpu.memory_space<vmem>>
      %dma_start3A_43 = tpu.memref_squeeze %dma_start3A_42 : memref<1x1x128xi32, #tpu.memory_space<vmem>> -> memref<1x128xi32, #tpu.memory_space<vmem>>
      %dma_start3A_44 = arith.constant 0 : i32
      %dma_start3A_45 = tpu.memref_slice %arg3[%dma_start3A_44, %mul3A_40] : memref<1x65536xi32, #tpu.memory_space<hbm>> -> memref<1x128xi32, #tpu.memory_space<hbm>>
      %dma_start3A_46 = tpu.memref_slice %run_scoped3A_7[%rem3A_38] : memref<2x!tpu.dma_semaphore, #tpu.memory_space<semaphore_mem>> -> memref<1x!tpu.dma_semaphore, #tpu.memory_space<semaphore_mem>>
      %dma_start3A_47 = tpu.memref_squeeze %dma_start3A_46 : memref<1x!tpu.dma_semaphore, #tpu.memory_space<semaphore_mem>> -> memref<!tpu.dma_semaphore, #tpu.memory_space<semaphore_mem>>
      %dma_start3A_48 = arith.constant 0 : i32
      %dma_start3A_49 = arith.constant 0 : i32
      %dma_start3A_50 = tpu.memref_slice %run_scoped3A[%rem3A_38, %dma_start3A_48, %dma_start3A_49] : memref<2x1x128xi32, #tpu.memory_space<vmem>> -> memref<1x1x128xi32, #tpu.memory_space<vmem>>
      %dma_start3A_51 = tpu.memref_squeeze %dma_start3A_50 : memref<1x1x128xi32, #tpu.memory_space<vmem>> -> memref<1x128xi32, #tpu.memory_space<vmem>>
      %dma_start3A_52 = arith.constant 0 : i32
      %dma_start3A_53 = tpu.memref_slice %arg3[%dma_start3A_52, %mul3A_40] : memref<1x65536xi32, #tpu.memory_space<hbm>> -> memref<1x128xi32, #tpu.memory_space<hbm>>
      tpu.enqueue_dma source(%dma_start3A_53 : memref<1x128xi32, #tpu.memory_space<hbm>>) target(%dma_start3A_51 : memref<1x128xi32, #tpu.memory_space<vmem>>) target_semaphore(%dma_start3A_47 : memref<!tpu.dma_semaphore, #tpu.memory_space<semaphore_mem>>)
      %add3A_54 = arith.constant 0 : i32
      %add3A_55 = arith.constant 1 : i32
      %add3A_56 = arith.addi %add3A_54, %add3A_55 : i32
      %select_n3A_57 = arith.constant true
      %select_n3A_58 = arith.constant 0 : i32
      %select_n3A_59 = arith.select %select_n3A_57, %add3A_56, %select_n3A_58 : i32
      "tpu.trace_stop"() : () -> ()
      %scan3A = arith.constant 0 : i32
      %scan3A_60 = arith.constant 0 : i32
      %scan3A_61 = arith.constant 0 : i32
      %scan3A_62 = arith.constant 0 : i32
      %scan3A_63 = arith.constant 0 : i32
      %scan3A_64 = arith.constant 16 : i32
      %scan3A_65 = arith.addi %scan3A_63, %scan3A_64 : i32
      %scan3A_66 = arith.constant 1 : i32
      %scan3A_67:5 = scf.for %scan3A_121 = %scan3A_63 to %scan3A_65 step %scan3A_66 iter_args(%scan3A_122 = %select_n3A_59, %scan3A_123 = %scan3A, %scan3A_124 = %scan3A_60, %scan3A_125 = %scan3A_61, %scan3A_126 = %scan3A_62) -> (i32, i32, i32, i32, i32)  : i32 {
        %eq3A_127 = arith.constant 0 : i32
        %eq3A_128 = arith.cmpi eq, %scan3A_121, %eq3A_127 : i32
        %eq3A_129 = arith.constant 15 : i32
        %eq3A_130 = arith.cmpi eq, %scan3A_121, %eq3A_129 : i32
        %add3A_131 = arith.addi %scan3A_126, %mul3A_6 : i32
        %sub3A_132 = arith.constant 1 : i32
        %sub3A_133 = arith.subi %scan3A_126, %sub3A_132 : i32
        %select_n3A_134 = arith.constant true
        %select_n3A_135 = arith.select %select_n3A_134, %sub3A_133, %scan3A_126 : i32
        %eq3A_136 = arith.constant -1 : i32
        %eq3A_137 = arith.cmpi eq, %select_n3A_135, %eq3A_136 : i32
        %select_n3A_138 = arith.constant 15 : i32
        %select_n3A_139 = arith.select %eq3A_137, %select_n3A_138, %select_n3A_135 : i32
        %add3A_140 = arith.addi %select_n3A_139, %mul3A_6 : i32
        %add3A_141 = arith.constant 1 : i32
        %add3A_142 = arith.addi %scan3A_126, %add3A_141 : i32
        %select_n3A_143 = arith.constant true
        %select_n3A_144 = arith.select %select_n3A_143, %add3A_142, %scan3A_126 : i32
        %eq3A_145 = arith.constant 16 : i32
        %eq3A_146 = arith.cmpi eq, %select_n3A_144, %eq3A_145 : i32
        %select_n3A_147 = arith.constant 0 : i32
        %select_n3A_148 = arith.select %eq3A_146, %select_n3A_147, %select_n3A_144 : i32
        %add3A_149 = arith.addi %select_n3A_148, %mul3A_6 : i32
        %add3A_150 = arith.constant 1 : i32
        %add3A_151 = arith.addi %select_n3A_148, %add3A_150 : i32
        %select_n3A_152 = arith.constant true
        %select_n3A_153 = arith.select %select_n3A_152, %add3A_151, %select_n3A_148 : i32
        %eq3A_154 = arith.constant 16 : i32
        %eq3A_155 = arith.cmpi eq, %select_n3A_153, %eq3A_154 : i32
        %select_n3A_156 = arith.constant 0 : i32
        %select_n3A_157 = arith.select %eq3A_155, %select_n3A_156, %select_n3A_153 : i32
        %add3A_158 = arith.addi %select_n3A_157, %mul3A_6 : i32
        %ne3A = arith.cmpi ne, %add3A_131, %add3A_149 : i32
        %or3A = arith.constant false
        %or3A_159 = arith.ori %or3A, %ne3A : i1
        %ge3A = arith.constant 15 : i32
        %ge3A_160 = arith.cmpi sge, %scan3A_121, %ge3A : i32
        %not3A = arith.constant true
        %not3A_161 = arith.xori %ge3A_160, %not3A : i1
        %and3A = arith.andi %or3A_159, %not3A_161 : i1
        %convert_element_type3A = arith.extui %and3A : i1 to i32
        %cond3A = arith.constant 0 : i32
        %cond3A_162 = arith.cmpi ne, %convert_element_type3A, %cond3A : i32
        scf.if %cond3A_162 {
          "tpu.trace_start"() <{level = 10 : i32, message = "ep_copy_in"}> : () -> ()
          %rem3A_264 = arith.constant 2 : i32
          %rem3A_265 = arith.remui %scan3A_122, %rem3A_264 : i32
          %mul3A_266 = arith.constant 128 : i32
          %mul3A_267 = arith.muli %mul3A_266, %add3A_149 : i32
          %dma_start3A_268 = arith.constant 0 : i32
          %dma_start3A_269 = arith.constant 0 : i32
          %dma_start3A_270 = tpu.memref_slice %run_scoped3A[%rem3A_265, %dma_start3A_268, %dma_start3A_269] : memref<2x1x128xi32, #tpu.memory_space<vmem>> -> memref<1x1x128xi32, #tpu.memory_space<vmem>>
          %dma_start3A_271 = tpu.memref_squeeze %dma_start3A_270 : memref<1x1x128xi32, #tpu.memory_space<vmem>> -> memref<1x128xi32, #tpu.memory_space<vmem>>
          %dma_start3A_272 = arith.constant 0 : i32
          %dma_start3A_273 = tpu.memref_slice %arg3[%dma_start3A_272, %mul3A_267] : memref<1x65536xi32, #tpu.memory_space<hbm>> -> memref<1x128xi32, #tpu.memory_space<hbm>>
          %dma_start3A_274 = tpu.memref_slice %run_scoped3A_7[%rem3A_265] : memref<2x!tpu.dma_semaphore, #tpu.memory_space<semaphore_mem>> -> memref<1x!tpu.dma_semaphore, #tpu.memory_space<semaphore_mem>>
          %dma_start3A_275 = tpu.memref_squeeze %dma_start3A_274 : memref<1x!tpu.dma_semaphore, #tpu.memory_space<semaphore_mem>> -> memref<!tpu.dma_semaphore, #tpu.memory_space<semaphore_mem>>
          %dma_start3A_276 = arith.constant 0 : i32
          %dma_start3A_277 = arith.constant 0 : i32
          %dma_start3A_278 = tpu.memref_slice %run_scoped3A[%rem3A_265, %dma_start3A_276, %dma_start3A_277] : memref<2x1x128xi32, #tpu.memory_space<vmem>> -> memref<1x1x128xi32, #tpu.memory_space<vmem>>
          %dma_start3A_279 = tpu.memref_squeeze %dma_start3A_278 : memref<1x1x128xi32, #tpu.memory_space<vmem>> -> memref<1x128xi32, #tpu.memory_space<vmem>>
          %dma_start3A_280 = arith.constant 0 : i32
          %dma_start3A_281 = tpu.memref_slice %arg3[%dma_start3A_280, %mul3A_267] : memref<1x65536xi32, #tpu.memory_space<hbm>> -> memref<1x128xi32, #tpu.memory_space<hbm>>
          tpu.enqueue_dma source(%dma_start3A_281 : memref<1x128xi32, #tpu.memory_space<hbm>>) target(%dma_start3A_279 : memref<1x128xi32, #tpu.memory_space<vmem>>) target_semaphore(%dma_start3A_275 : memref<!tpu.dma_semaphore, #tpu.memory_space<semaphore_mem>>)
          "tpu.trace_stop"() : () -> ()
        } else {
        }
        %and3A_163 = arith.constant true
        %and3A_164 = arith.andi %and3A, %and3A_163 : i1
        %add3A_165 = arith.constant 1 : i32
        %add3A_166 = arith.addi %scan3A_122, %add3A_165 : i32
        %select_n3A_167 = arith.select %and3A_164, %add3A_166, %scan3A_122 : i32
        %ne3A_168 = arith.cmpi ne, %add3A_131, %add3A_149 : i32
        %or3A_169 = arith.constant false
        %or3A_170 = arith.ori %or3A_169, %ne3A_168 : i1
        %or3A_171 = arith.constant false
        %or3A_172 = arith.ori %or3A_170, %or3A_171 : i1
        %ge3A_173 = arith.constant 15 : i32
        %ge3A_174 = arith.cmpi sge, %scan3A_121, %ge3A_173 : i32
        %not3A_175 = arith.constant true
        %not3A_176 = arith.xori %ge3A_174, %not3A_175 : i1
        %and3A_177 = arith.andi %or3A_172, %not3A_176 : i1
        %ne3A_178 = arith.cmpi ne, %add3A_131, %add3A_140 : i32
        %or3A_179 = arith.constant false
        %or3A_180 = arith.ori %or3A_179, %ne3A_178 : i1
        %or3A_181 = arith.ori %or3A_180, %eq3A_128 : i1
        %convert_element_type3A_182 = arith.extui %or3A_181 : i1 to i32
        %cond3A_183 = arith.constant 0 : i32
        %cond3A_184 = arith.cmpi ne, %convert_element_type3A_182, %cond3A_183 : i32
        scf.if %cond3A_184 {
          "tpu.trace_start"() <{level = 10 : i32, message = "ep_wait_in"}> : () -> ()
          %mul3A_264 = arith.constant 128 : i32
          %mul3A_265 = arith.muli %mul3A_264, %add3A_131 : i32
          %rem3A_266 = arith.constant 2 : i32
          %rem3A_267 = arith.remui %scan3A_123, %rem3A_266 : i32
          %dma_wait3A_268 = arith.constant 0 : i32
          %dma_wait3A_269 = arith.constant 0 : i32
          %dma_wait3A_270 = tpu.memref_slice %run_scoped3A[%rem3A_267, %dma_wait3A_268, %dma_wait3A_269] : memref<2x1x128xi32, #tpu.memory_space<vmem>> -> memref<1x1x128xi32, #tpu.memory_space<vmem>>
          %dma_wait3A_271 = tpu.memref_squeeze %dma_wait3A_270 : memref<1x1x128xi32, #tpu.memory_space<vmem>> -> memref<1x128xi32, #tpu.memory_space<vmem>>
          %dma_wait3A_272 = arith.constant 0 : i32
          %dma_wait3A_273 = tpu.memref_slice %arg3[%dma_wait3A_272, %mul3A_265] : memref<1x65536xi32, #tpu.memory_space<hbm>> -> memref<1x128xi32, #tpu.memory_space<hbm>>
          %dma_wait3A_274 = tpu.memref_slice %run_scoped3A_7[%rem3A_267] : memref<2x!tpu.dma_semaphore, #tpu.memory_space<semaphore_mem>> -> memref<1x!tpu.dma_semaphore, #tpu.memory_space<semaphore_mem>>
          %dma_wait3A_275 = tpu.memref_squeeze %dma_wait3A_274 : memref<1x!tpu.dma_semaphore, #tpu.memory_space<semaphore_mem>> -> memref<!tpu.dma_semaphore, #tpu.memory_space<semaphore_mem>>
          %dma_wait3A_276 = arith.constant 0 : i32
          %dma_wait3A_277 = arith.constant 0 : i32
          %dma_wait3A_278 = tpu.memref_slice %run_scoped3A[%rem3A_267, %dma_wait3A_276, %dma_wait3A_277] : memref<2x1x128xi32, #tpu.memory_space<vmem>> -> memref<1x1x128xi32, #tpu.memory_space<vmem>>
          %dma_wait3A_279 = tpu.memref_squeeze %dma_wait3A_278 : memref<1x1x128xi32, #tpu.memory_space<vmem>> -> memref<1x128xi32, #tpu.memory_space<vmem>>
          %dma_wait3A_280 = arith.constant 0 : i32
          %dma_wait3A_281 = tpu.memref_slice %arg3[%dma_wait3A_280, %mul3A_265] : memref<1x65536xi32, #tpu.memory_space<hbm>> -> memref<1x128xi32, #tpu.memory_space<hbm>>
          tpu.wait_dma2 semaphore(%dma_wait3A_275 : memref<!tpu.dma_semaphore, #tpu.memory_space<semaphore_mem>>) src(%dma_wait3A_281 : memref<1x128xi32, #tpu.memory_space<hbm>>) dst(%dma_wait3A_279 : memref<1x128xi32, #tpu.memory_space<vmem>>)
          "tpu.trace_stop"() : () -> ()
        } else {
        }
        %ne3A_185 = arith.cmpi ne, %add3A_131, %add3A_140 : i32
        %or3A_186 = arith.constant false
        %or3A_187 = arith.ori %or3A_186, %ne3A_185 : i1
        %or3A_188 = arith.constant false
        %or3A_189 = arith.ori %or3A_187, %or3A_188 : i1
        %or3A_190 = arith.ori %or3A_189, %eq3A_128 : i1
        %convert_element_type3A_191 = arith.extui %or3A_190 : i1 to i32
        %cond3A_192 = arith.constant 0 : i32
        %cond3A_193 = arith.cmpi ne, %convert_element_type3A_191, %cond3A_192 : i32
        scf.if %cond3A_193 {
        } else {
        }
        %rem3A_194 = arith.constant 2 : i32
        %rem3A_195 = arith.remui %scan3A_123, %rem3A_194 : i32
        %rem3A_196 = arith.constant 2 : i32
        %rem3A_197 = arith.remui %scan3A_124, %rem3A_196 : i32
        %run_scoped3A_198 = arith.constant 0 : i32
        "tpu.trace_start"() <{level = 10 : i32, message = "ep_run_kernel"}> : () -> ()
        "tpu.region"() ({
          %run_scoped3A_264 = tpu.sem_alloc : memref<!tpu.dma_semaphore, #tpu.memory_space<semaphore_mem>>
          %dma_start3A_265 = arith.constant 0 : i32
          %dma_start3A_266 = arith.constant 0 : i32
          %dma_start3A_267 = tpu.memref_slice %run_scoped3A_8[%rem3A_197, %dma_start3A_265, %dma_start3A_266] : memref<2x128x256xf32, #tpu.memory_space<vmem>> -> memref<1x128x256xf32, #tpu.memory_space<vmem>>
          %dma_start3A_268 = tpu.memref_squeeze %dma_start3A_267 : memref<1x128x256xf32, #tpu.memory_space<vmem>> -> memref<128x256xf32, #tpu.memory_space<vmem>>
          %dma_start3A_269 = arith.constant 0 : i32
          %dma_start3A_270 = arith.constant 0 : i32
          %dma_start3A_271 = tpu.memref_slice %run_scoped3A[%rem3A_195, %dma_start3A_269, %dma_start3A_270] : memref<2x1x128xi32, #tpu.memory_space<vmem>> -> memref<1x1x128xi32, #tpu.memory_space<vmem>>
          %dma_start3A_272 = tpu.memref_squeeze %dma_start3A_271 : memref<1x1x128xi32, #tpu.memory_space<vmem>> -> memref<1x128xi32, #tpu.memory_space<vmem>>
          %dma_start3A_273 = arith.constant 0 : i32
          %dma_start3A_274 = tpu.memref_slice %dma_start3A_272[%run_scoped3A_198, %dma_start3A_273] : memref<1x128xi32, #tpu.memory_space<vmem>> -> memref<1x128xi32, #tpu.memory_space<vmem>>
          %dma_start3A_275 = tpu.memref_squeeze %dma_start3A_274 : memref<1x128xi32, #tpu.memory_space<vmem>> -> memref<128xi32, #tpu.memory_space<vmem>>
          %dma_start3A_276 = arith.constant 0 : i32
          %dma_start3A_277 = arith.constant 0 : i32
          %dma_start3A_278 = tpu.memref_slice %arg2[%dma_start3A_276, %dma_start3A_277] : memref<8192x256xf32, #tpu.memory_space<hbm>> -> memref<8192x256xf32, #tpu.memory_space<hbm>>
          tpu.enqueue_indirect_dma source(%dma_start3A_278 : memref<8192x256xf32, #tpu.memory_space<hbm>>) target(%dma_start3A_268 : memref<128x256xf32, #tpu.memory_space<vmem>>) offsets(%dma_start3A_275 : memref<128xi32, #tpu.memory_space<vmem>>) semaphore(%run_scoped3A_264 : memref<!tpu.dma_semaphore, #tpu.memory_space<semaphore_mem>>)
          %dma_wait3A_279 = arith.constant 0 : i32
          %dma_wait3A_280 = arith.constant 0 : i32
          %dma_wait3A_281 = tpu.memref_slice %run_scoped3A_8[%rem3A_197, %dma_wait3A_279, %dma_wait3A_280] : memref<2x128x256xf32, #tpu.memory_space<vmem>> -> memref<1x128x256xf32, #tpu.memory_space<vmem>>
          %dma_wait3A_282 = tpu.memref_squeeze %dma_wait3A_281 : memref<1x128x256xf32, #tpu.memory_space<vmem>> -> memref<128x256xf32, #tpu.memory_space<vmem>>
          %dma_wait3A_283 = arith.constant 0 : i32
          %dma_wait3A_284 = arith.constant 0 : i32
          %dma_wait3A_285 = tpu.memref_slice %run_scoped3A[%rem3A_195, %dma_wait3A_283, %dma_wait3A_284] : memref<2x1x128xi32, #tpu.memory_space<vmem>> -> memref<1x1x128xi32, #tpu.memory_space<vmem>>
          %dma_wait3A_286 = tpu.memref_squeeze %dma_wait3A_285 : memref<1x1x128xi32, #tpu.memory_space<vmem>> -> memref<1x128xi32, #tpu.memory_space<vmem>>
          %dma_wait3A_287 = arith.constant 0 : i32
          %dma_wait3A_288 = tpu.memref_slice %dma_wait3A_286[%run_scoped3A_198, %dma_wait3A_287] : memref<1x128xi32, #tpu.memory_space<vmem>> -> memref<1x128xi32, #tpu.memory_space<vmem>>
          %dma_wait3A_289 = tpu.memref_squeeze %dma_wait3A_288 : memref<1x128xi32, #tpu.memory_space<vmem>> -> memref<128xi32, #tpu.memory_space<vmem>>
          %dma_wait3A_290 = arith.constant 0 : i32
          %dma_wait3A_291 = arith.constant 0 : i32
          %dma_wait3A_292 = tpu.memref_slice %arg2[%dma_wait3A_290, %dma_wait3A_291] : memref<8192x256xf32, #tpu.memory_space<hbm>> -> memref<8192x256xf32, #tpu.memory_space<hbm>>
          tpu.wait_indirect_dma semaphore(%run_scoped3A_264 : memref<!tpu.dma_semaphore, #tpu.memory_space<semaphore_mem>>) src(%dma_wait3A_292 : memref<8192x256xf32, #tpu.memory_space<hbm>>) dst(%dma_wait3A_282 : memref<128x256xf32, #tpu.memory_space<vmem>>)
          tpu.yield
        }) : () -> ()
        "tpu.trace_stop"() : () -> ()
        %ne3A_199 = arith.cmpi ne, %add3A_131, %add3A_149 : i32
        %or3A_200 = arith.constant false
        %or3A_201 = arith.ori %or3A_200, %ne3A_199 : i1
        %or3A_202 = arith.ori %or3A_201, %eq3A_130 : i1
        %convert_element_type3A_203 = arith.extui %or3A_202 : i1 to i32
        %cond3A_204 = arith.constant 0 : i32
        %cond3A_205 = arith.cmpi ne, %convert_element_type3A_203, %cond3A_204 : i32
        scf.if %cond3A_205 {
        } else {
        }
        %and3A_206 = arith.constant false
        %and3A_207 = arith.andi %or3A_202, %and3A_206 : i1
        %ne3A_208 = arith.cmpi ne, %add3A_131, %add3A_149 : i32
        %or3A_209 = arith.constant false
        %or3A_210 = arith.ori %or3A_209, %ne3A_208 : i1
        %or3A_211 = arith.constant false
        %or3A_212 = arith.ori %or3A_210, %or3A_211 : i1
        %or3A_213 = arith.ori %or3A_212, %eq3A_130 : i1
        %convert_element_type3A_214 = arith.extui %or3A_213 : i1 to i32
        %cond3A_215 = arith.constant 0 : i32
        %cond3A_216 = arith.cmpi ne, %convert_element_type3A_214, %cond3A_215 : i32
        scf.if %cond3A_216 {
          "tpu.trace_start"() <{level = 10 : i32, message = "ep_copy_out"}> : () -> ()
          %rem3A_264 = arith.constant 2 : i32
          %rem3A_265 = arith.remui %scan3A_124, %rem3A_264 : i32
          %mul3A_266 = arith.constant 128 : i32
          %mul3A_267 = arith.muli %mul3A_266, %add3A_131 : i32
          %dma_start3A_268 = arith.constant 0 : i32
          %dma_start3A_269 = arith.constant 0 : i32
          %dma_start3A_270 = tpu.memref_slice %run_scoped3A_8[%rem3A_265, %dma_start3A_268, %dma_start3A_269] : memref<2x128x256xf32, #tpu.memory_space<vmem>> -> memref<1x128x256xf32, #tpu.memory_space<vmem>>
          %dma_start3A_271 = tpu.memref_squeeze %dma_start3A_270 : memref<1x128x256xf32, #tpu.memory_space<vmem>> -> memref<128x256xf32, #tpu.memory_space<vmem>>
          %dma_start3A_272 = arith.constant 0 : i32
          %dma_start3A_273 = tpu.memref_slice %arg4[%mul3A_267, %dma_start3A_272] : memref<65536x256xf32, #tpu.memory_space<hbm>> -> memref<128x256xf32, #tpu.memory_space<hbm>>
          %dma_start3A_274 = tpu.memref_slice %run_scoped3A_9[%rem3A_265] : memref<2x!tpu.dma_semaphore, #tpu.memory_space<semaphore_mem>> -> memref<1x!tpu.dma_semaphore, #tpu.memory_space<semaphore_mem>>
          %dma_start3A_275 = tpu.memref_squeeze %dma_start3A_274 : memref<1x!tpu.dma_semaphore, #tpu.memory_space<semaphore_mem>> -> memref<!tpu.dma_semaphore, #tpu.memory_space<semaphore_mem>>
          %dma_start3A_276 = arith.constant 0 : i32
          %dma_start3A_277 = tpu.memref_slice %arg4[%mul3A_267, %dma_start3A_276] : memref<65536x256xf32, #tpu.memory_space<hbm>> -> memref<128x256xf32, #tpu.memory_space<hbm>>
          %dma_start3A_278 = arith.constant 0 : i32
          %dma_start3A_279 = arith.constant 0 : i32
          %dma_start3A_280 = tpu.memref_slice %run_scoped3A_8[%rem3A_265, %dma_start3A_278, %dma_start3A_279] : memref<2x128x256xf32, #tpu.memory_space<vmem>> -> memref<1x128x256xf32, #tpu.memory_space<vmem>>
          %dma_start3A_281 = tpu.memref_squeeze %dma_start3A_280 : memref<1x128x256xf32, #tpu.memory_space<vmem>> -> memref<128x256xf32, #tpu.memory_space<vmem>>
          tpu.enqueue_dma source(%dma_start3A_281 : memref<128x256xf32, #tpu.memory_space<vmem>>) target(%dma_start3A_277 : memref<128x256xf32, #tpu.memory_space<hbm>>) target_semaphore(%dma_start3A_275 : memref<!tpu.dma_semaphore, #tpu.memory_space<semaphore_mem>>)
          "tpu.trace_stop"() : () -> ()
        } else {
        }
        %and3A_217 = arith.constant true
        %and3A_218 = arith.andi %or3A_213, %and3A_217 : i1
        %add3A_219 = arith.constant 1 : i32
        %add3A_220 = arith.addi %scan3A_124, %add3A_219 : i32
        %select_n3A_221 = arith.select %and3A_218, %add3A_220, %scan3A_124 : i32
        %ne3A_222 = arith.cmpi ne, %add3A_131, %add3A_140 : i32
        %or3A_223 = arith.constant false
        %or3A_224 = arith.ori %or3A_223, %ne3A_222 : i1
        %not3A_225 = arith.constant true
        %not3A_226 = arith.xori %eq3A_128, %not3A_225 : i1
        %and3A_227 = arith.andi %or3A_224, %not3A_226 : i1
        %convert_element_type3A_228 = arith.extui %and3A_227 : i1 to i32
        %cond3A_229 = arith.constant 0 : i32
        %cond3A_230 = arith.cmpi ne, %convert_element_type3A_228, %cond3A_229 : i32
        scf.if %cond3A_230 {
        } else {
        }
        %and3A_231 = arith.constant false
        %and3A_232 = arith.andi %and3A_227, %and3A_231 : i1
        %ne3A_233 = arith.cmpi ne, %add3A_131, %add3A_140 : i32
        %or3A_234 = arith.constant false
        %or3A_235 = arith.ori %or3A_234, %ne3A_233 : i1
        %or3A_236 = arith.constant false
        %or3A_237 = arith.ori %or3A_235, %or3A_236 : i1
        %not3A_238 = arith.constant true
        %not3A_239 = arith.xori %eq3A_128, %not3A_238 : i1
        %and3A_240 = arith.andi %or3A_237, %not3A_239 : i1
        %convert_element_type3A_241 = arith.extui %and3A_240 : i1 to i32
        %cond3A_242 = arith.constant 0 : i32
        %cond3A_243 = arith.cmpi ne, %convert_element_type3A_241, %cond3A_242 : i32
        scf.if %cond3A_243 {
          "tpu.trace_start"() <{level = 10 : i32, message = "ep_wait_out"}> : () -> ()
          %rem3A_264 = arith.constant 2 : i32
          %rem3A_265 = arith.remui %scan3A_125, %rem3A_264 : i32
          %mul3A_266 = arith.constant 128 : i32
          %mul3A_267 = arith.muli %mul3A_266, %add3A_140 : i32
          %dma_wait3A_268 = arith.constant 0 : i32
          %dma_wait3A_269 = arith.constant 0 : i32
          %dma_wait3A_270 = tpu.memref_slice %run_scoped3A_8[%rem3A_265, %dma_wait3A_268, %dma_wait3A_269] : memref<2x128x256xf32, #tpu.memory_space<vmem>> -> memref<1x128x256xf32, #tpu.memory_space<vmem>>
          %dma_wait3A_271 = tpu.memref_squeeze %dma_wait3A_270 : memref<1x128x256xf32, #tpu.memory_space<vmem>> -> memref<128x256xf32, #tpu.memory_space<vmem>>
          %dma_wait3A_272 = arith.constant 0 : i32
          %dma_wait3A_273 = tpu.memref_slice %arg4[%mul3A_267, %dma_wait3A_272] : memref<65536x256xf32, #tpu.memory_space<hbm>> -> memref<128x256xf32, #tpu.memory_space<hbm>>
          %dma_wait3A_274 = tpu.memref_slice %run_scoped3A_9[%rem3A_265] : memref<2x!tpu.dma_semaphore, #tpu.memory_space<semaphore_mem>> -> memref<1x!tpu.dma_semaphore, #tpu.memory_space<semaphore_mem>>
          %dma_wait3A_275 = tpu.memref_squeeze %dma_wait3A_274 : memref<1x!tpu.dma_semaphore, #tpu.memory_space<semaphore_mem>> -> memref<!tpu.dma_semaphore, #tpu.memory_space<semaphore_mem>>
          %dma_wait3A_276 = arith.constant 0 : i32
          %dma_wait3A_277 = tpu.memref_slice %arg4[%mul3A_267, %dma_wait3A_276] : memref<65536x256xf32, #tpu.memory_space<hbm>> -> memref<128x256xf32, #tpu.memory_space<hbm>>
          %dma_wait3A_278 = arith.constant 0 : i32
          %dma_wait3A_279 = arith.constant 0 : i32
          %dma_wait3A_280 = tpu.memref_slice %run_scoped3A_8[%rem3A_265, %dma_wait3A_278, %dma_wait3A_279] : memref<2x128x256xf32, #tpu.memory_space<vmem>> -> memref<1x128x256xf32, #tpu.memory_space<vmem>>
          %dma_wait3A_281 = tpu.memref_squeeze %dma_wait3A_280 : memref<1x128x256xf32, #tpu.memory_space<vmem>> -> memref<128x256xf32, #tpu.memory_space<vmem>>
          tpu.wait_dma2 semaphore(%dma_wait3A_275 : memref<!tpu.dma_semaphore, #tpu.memory_space<semaphore_mem>>) src(%dma_wait3A_281 : memref<128x256xf32, #tpu.memory_space<vmem>>) dst(%dma_wait3A_277 : memref<128x256xf32, #tpu.memory_space<hbm>>)
          "tpu.trace_stop"() : () -> ()
        } else {
        }
        %and3A_244 = arith.constant true
        %and3A_245 = arith.andi %and3A_240, %and3A_244 : i1
        %add3A_246 = arith.constant 1 : i32
        %add3A_247 = arith.addi %scan3A_125, %add3A_246 : i32
        %select_n3A_248 = arith.select %and3A_245, %add3A_247, %scan3A_125 : i32
        %ne3A_249 = arith.cmpi ne, %add3A_131, %add3A_149 : i32
        %or3A_250 = arith.constant false
        %or3A_251 = arith.ori %or3A_250, %ne3A_249 : i1
        %or3A_252 = arith.ori %or3A_251, %eq3A_130 : i1
        %add3A_253 = arith.constant 1 : i32
        %add3A_254 = arith.addi %scan3A_123, %add3A_253 : i32
        %select_n3A_255 = arith.select %or3A_252, %add3A_254, %scan3A_123 : i32
        %add3A_256 = arith.constant 1 : i32
        %add3A_257 = arith.addi %scan3A_126, %add3A_256 : i32
        %select_n3A_258 = arith.constant true
        %select_n3A_259 = arith.select %select_n3A_258, %add3A_257, %scan3A_126 : i32
        %eq3A_260 = arith.constant 16 : i32
        %eq3A_261 = arith.cmpi eq, %select_n3A_259, %eq3A_260 : i32
        %select_n3A_262 = arith.constant 0 : i32
        %select_n3A_263 = arith.select %eq3A_261, %select_n3A_262, %select_n3A_259 : i32
        scf.yield %select_n3A_167, %select_n3A_255, %select_n3A_221, %select_n3A_248, %select_n3A_263 : i32, i32, i32, i32, i32
      }
      %scan3A_68 = arith.constant 16 : i32
      %sub3A = arith.constant 1 : i32
      %sub3A_69 = arith.subi %scan3A_67#4, %sub3A : i32
      %select_n3A_70 = arith.constant true
      %select_n3A_71 = arith.select %select_n3A_70, %sub3A_69, %scan3A_67#4 : i32
      %eq3A_72 = arith.constant -1 : i32
      %eq3A_73 = arith.cmpi eq, %select_n3A_71, %eq3A_72 : i32
      %select_n3A_74 = arith.constant 15 : i32
      %select_n3A_75 = arith.select %eq3A_73, %select_n3A_74, %select_n3A_71 : i32
      %add3A_76 = arith.addi %select_n3A_75, %mul3A_6 : i32
      %sub3A_77 = arith.constant 1 : i32
      %sub3A_78 = arith.subi %select_n3A_75, %sub3A_77 : i32
      %select_n3A_79 = arith.constant true
      %select_n3A_80 = arith.select %select_n3A_79, %sub3A_78, %select_n3A_75 : i32
      %eq3A_81 = arith.constant -1 : i32
      %eq3A_82 = arith.cmpi eq, %select_n3A_80, %eq3A_81 : i32
      %select_n3A_83 = arith.constant 15 : i32
      %select_n3A_84 = arith.select %eq3A_82, %select_n3A_83, %select_n3A_80 : i32
      %add3A_85 = arith.addi %select_n3A_84, %mul3A_6 : i32
      %add3A_86 = arith.constant 1 : i32
      %add3A_87 = arith.addi %select_n3A_75, %add3A_86 : i32
      %select_n3A_88 = arith.constant true
      %select_n3A_89 = arith.select %select_n3A_88, %add3A_87, %select_n3A_75 : i32
      %eq3A_90 = arith.constant 16 : i32
      %eq3A_91 = arith.cmpi eq, %select_n3A_89, %eq3A_90 : i32
      %select_n3A_92 = arith.constant 0 : i32
      %select_n3A_93 = arith.select %eq3A_91, %select_n3A_92, %select_n3A_89 : i32
      %add3A_94 = arith.addi %select_n3A_93, %mul3A_6 : i32
      %add3A_95 = arith.constant 1 : i32
      %add3A_96 = arith.addi %select_n3A_93, %add3A_95 : i32
      %select_n3A_97 = arith.constant true
      %select_n3A_98 = arith.select %select_n3A_97, %add3A_96, %select_n3A_93 : i32
      %eq3A_99 = arith.constant 16 : i32
      %eq3A_100 = arith.cmpi eq, %select_n3A_98, %eq3A_99 : i32
      %select_n3A_101 = arith.constant 0 : i32
      %select_n3A_102 = arith.select %eq3A_100, %select_n3A_101, %select_n3A_98 : i32
      %add3A_103 = arith.addi %select_n3A_102, %mul3A_6 : i32
      "tpu.trace_start"() <{level = 10 : i32, message = "ep_finalize"}> : () -> ()
      %rem3A_104 = arith.constant 2 : i32
      %rem3A_105 = arith.remui %scan3A_67#3, %rem3A_104 : i32
      %mul3A_106 = arith.constant 128 : i32
      %mul3A_107 = arith.muli %mul3A_106, %add3A_76 : i32
      %dma_wait3A = arith.constant 0 : i32
      %dma_wait3A_108 = arith.constant 0 : i32
      %dma_wait3A_109 = tpu.memref_slice %run_scoped3A_8[%rem3A_105, %dma_wait3A, %dma_wait3A_108] : memref<2x128x256xf32, #tpu.memory_space<vmem>> -> memref<1x128x256xf32, #tpu.memory_space<vmem>>
      %dma_wait3A_110 = tpu.memref_squeeze %dma_wait3A_109 : memref<1x128x256xf32, #tpu.memory_space<vmem>> -> memref<128x256xf32, #tpu.memory_space<vmem>>
      %dma_wait3A_111 = arith.constant 0 : i32
      %dma_wait3A_112 = tpu.memref_slice %arg4[%mul3A_107, %dma_wait3A_111] : memref<65536x256xf32, #tpu.memory_space<hbm>> -> memref<128x256xf32, #tpu.memory_space<hbm>>
      %dma_wait3A_113 = tpu.memref_slice %run_scoped3A_9[%rem3A_105] : memref<2x!tpu.dma_semaphore, #tpu.memory_space<semaphore_mem>> -> memref<1x!tpu.dma_semaphore, #tpu.memory_space<semaphore_mem>>
      %dma_wait3A_114 = tpu.memref_squeeze %dma_wait3A_113 : memref<1x!tpu.dma_semaphore, #tpu.memory_space<semaphore_mem>> -> memref<!tpu.dma_semaphore, #tpu.memory_space<semaphore_mem>>
      %dma_wait3A_115 = arith.constant 0 : i32
      %dma_wait3A_116 = tpu.memref_slice %arg4[%mul3A_107, %dma_wait3A_115] : memref<65536x256xf32, #tpu.memory_space<hbm>> -> memref<128x256xf32, #tpu.memory_space<hbm>>
      %dma_wait3A_117 = arith.constant 0 : i32
      %dma_wait3A_118 = arith.constant 0 : i32
      %dma_wait3A_119 = tpu.memref_slice %run_scoped3A_8[%rem3A_105, %dma_wait3A_117, %dma_wait3A_118] : memref<2x128x256xf32, #tpu.memory_space<vmem>> -> memref<1x128x256xf32, #tpu.memory_space<vmem>>
      %dma_wait3A_120 = tpu.memref_squeeze %dma_wait3A_119 : memref<1x128x256xf32, #tpu.memory_space<vmem>> -> memref<128x256xf32, #tpu.memory_space<vmem>>
      tpu.wait_dma2 semaphore(%dma_wait3A_114 : memref<!tpu.dma_semaphore, #tpu.memory_space<semaphore_mem>>) src(%dma_wait3A_120 : memref<128x256xf32, #tpu.memory_space<vmem>>) dst(%dma_wait3A_116 : memref<128x256xf32, #tpu.memory_space<hbm>>)
      "tpu.trace_stop"() : () -> ()
      tpu.yield
    }) : () -> ()
    return
  }
}

module attributes {stable_mosaic.version = 14 : i64} {
  func.func @_argmin_body(%arg0: i32, %arg1: memref<8192x256xbf16, #tpu.memory_space<vmem>>, %arg2: memref<8192xf32, #tpu.memory_space<vmem>>, %arg3: memref<2048x256xbf16, #tpu.memory_space<vmem>>, %arg4: memref<2048x1xf32, #tpu.memory_space<vmem>>, %arg5: memref<2048xi32, #tpu.memory_space<vmem>>) attributes {dimension_semantics = [#tpu.dimension_semantics<parallel>], iteration_bounds = array<i64: 32>, scalar_prefetch = 0 : i64, scratch_operands = 0 : i64, tpu.core_type = #tpu.core_type<tc>, window_params = [{pipeline_mode = #tpu.pipeline_mode<synchronous>, transform_indices = @transform_0, window_bounds = array<i64: 8192, 256>}, {pipeline_mode = #tpu.pipeline_mode<synchronous>, transform_indices = @transform_1, window_bounds = array<i64: 8192>}, {transform_indices = @transform_2, window_bounds = array<i64: 2048, 256>}, {transform_indices = @transform_3, window_bounds = array<i64: 2048, 1>}, {transform_indices = @transform_4, window_bounds = array<i64: 2048>}]} {
    %get3A = arith.constant 0 : index
    %get3A_0 = arith.constant 0 : index
    %get3A_1 = vector.load %arg3[%get3A, %get3A_0] : memref<2048x256xbf16, #tpu.memory_space<vmem>>, vector<2048x256xbf16>
    %get3A_2 = arith.constant 0 : index
    %get3A_3 = arith.constant 0 : index
    %get3A_4 = vector.load %arg4[%get3A_2, %get3A_3] : memref<2048x1xf32, #tpu.memory_space<vmem>>, vector<2048x1xf32>
    %broadcast_in_dim3A = arith.constant 0x7F800000 : f32
    %broadcast_in_dim3A_5 = vector.broadcast %broadcast_in_dim3A : f32 to vector<2048x128xf32>
    %broadcast_in_dim3A_6 = arith.constant 0 : i32
    %broadcast_in_dim3A_7 = vector.broadcast %broadcast_in_dim3A_6 : i32 to vector<2048x128xi32>
    %broadcast_in_dim3A_8 = arith.constant 0x7F800000 : f32
    %broadcast_in_dim3A_9 = vector.broadcast %broadcast_in_dim3A_8 : f32 to vector<2048x128xf32>
    %broadcast_in_dim3A_10 = arith.constant 0 : i32
    %broadcast_in_dim3A_11 = vector.broadcast %broadcast_in_dim3A_10 : i32 to vector<2048x128xi32>
    %broadcast_in_dim3A_12 = arith.constant 0x7F800000 : f32
    %broadcast_in_dim3A_13 = vector.broadcast %broadcast_in_dim3A_12 : f32 to vector<2048x128xf32>
    %broadcast_in_dim3A_14 = arith.constant 0 : i32
    %broadcast_in_dim3A_15 = vector.broadcast %broadcast_in_dim3A_14 : i32 to vector<2048x128xi32>
    %iota3A = tpu.iota {dimensions = array<i32: 1>} : vector<2048x128xi32>
    %get3A_16 = arith.constant 0 : index
    %get3A_17 = arith.constant 0 : index
    %get3A_18 = vector.load %arg1[%get3A_16, %get3A_17] : memref<8192x256xbf16, #tpu.memory_space<vmem>>, vector<1024x256xbf16>
    %dot_general3A = arith.constant dense<0.000000e+00> : vector<2048x1024xf32>
    %dot_general3A_19 = tpu.matmul %get3A_1, %get3A_18, %dot_general3A {dimension_numbers = #tpu.dot_dimension_numbers<[1], [1], [0], [0], [0, 0, 1, 0], [], []>, transpose_lhs_hint = false} : vector<2048x256xbf16>, vector<1024x256xbf16>, vector<2048x1024xf32> -> vector<2048x1024xf32>
    %slice3A = vector.extract_strided_slice %dot_general3A_19 {offsets = [0, 0], sizes = [2048, 128], strides = [1, 1]} : vector<2048x1024xf32> to vector<2048x128xf32>
    %sub3A = vector.broadcast %get3A_4 : vector<2048x1xf32> to vector<2048x128xf32>
    %sub3A_20 = arith.subf %sub3A, %slice3A : vector<2048x128xf32>
    %get3A_21 = arith.constant 0 : index
    %get3A_22 = vector.load %arg2[%get3A_21] : memref<8192xf32, #tpu.memory_space<vmem>>, vector<128xf32>
    %broadcast_in_dim3A_23 = vector.shape_cast %get3A_22 : vector<128xf32> to vector<1x128xf32>
    %add3A = vector.broadcast %broadcast_in_dim3A_23 : vector<1x128xf32> to vector<2048x128xf32>
    %add3A_24 = arith.addf %sub3A_20, %add3A : vector<2048x128xf32>
    %slice3A_25 = vector.extract_strided_slice %dot_general3A_19 {offsets = [0, 128], sizes = [2048, 128], strides = [1, 1]} : vector<2048x1024xf32> to vector<2048x128xf32>
    %sub3A_26 = vector.broadcast %get3A_4 : vector<2048x1xf32> to vector<2048x128xf32>
    %sub3A_27 = arith.subf %sub3A_26, %slice3A_25 : vector<2048x128xf32>
    %get3A_28 = arith.constant 128 : index
    %get3A_29 = vector.load %arg2[%get3A_28] : memref<8192xf32, #tpu.memory_space<vmem>>, vector<128xf32>
    %broadcast_in_dim3A_30 = vector.shape_cast %get3A_29 : vector<128xf32> to vector<1x128xf32>
    %add3A_31 = vector.broadcast %broadcast_in_dim3A_30 : vector<1x128xf32> to vector<2048x128xf32>
    %add3A_32 = arith.addf %sub3A_27, %add3A_31 : vector<2048x128xf32>
    %slice3A_33 = vector.extract_strided_slice %dot_general3A_19 {offsets = [0, 256], sizes = [2048, 128], strides = [1, 1]} : vector<2048x1024xf32> to vector<2048x128xf32>
    %sub3A_34 = vector.broadcast %get3A_4 : vector<2048x1xf32> to vector<2048x128xf32>
    %sub3A_35 = arith.subf %sub3A_34, %slice3A_33 : vector<2048x128xf32>
    %get3A_36 = arith.constant 256 : index
    %get3A_37 = vector.load %arg2[%get3A_36] : memref<8192xf32, #tpu.memory_space<vmem>>, vector<128xf32>
    %broadcast_in_dim3A_38 = vector.shape_cast %get3A_37 : vector<128xf32> to vector<1x128xf32>
    %add3A_39 = vector.broadcast %broadcast_in_dim3A_38 : vector<1x128xf32> to vector<2048x128xf32>
    %add3A_40 = arith.addf %sub3A_35, %add3A_39 : vector<2048x128xf32>
    %slice3A_41 = vector.extract_strided_slice %dot_general3A_19 {offsets = [0, 384], sizes = [2048, 128], strides = [1, 1]} : vector<2048x1024xf32> to vector<2048x128xf32>
    %sub3A_42 = vector.broadcast %get3A_4 : vector<2048x1xf32> to vector<2048x128xf32>
    %sub3A_43 = arith.subf %sub3A_42, %slice3A_41 : vector<2048x128xf32>
    %get3A_44 = arith.constant 384 : index
    %get3A_45 = vector.load %arg2[%get3A_44] : memref<8192xf32, #tpu.memory_space<vmem>>, vector<128xf32>
    %broadcast_in_dim3A_46 = vector.shape_cast %get3A_45 : vector<128xf32> to vector<1x128xf32>
    %add3A_47 = vector.broadcast %broadcast_in_dim3A_46 : vector<1x128xf32> to vector<2048x128xf32>
    %add3A_48 = arith.addf %sub3A_43, %add3A_47 : vector<2048x128xf32>
    %slice3A_49 = vector.extract_strided_slice %dot_general3A_19 {offsets = [0, 512], sizes = [2048, 128], strides = [1, 1]} : vector<2048x1024xf32> to vector<2048x128xf32>
    %sub3A_50 = vector.broadcast %get3A_4 : vector<2048x1xf32> to vector<2048x128xf32>
    %sub3A_51 = arith.subf %sub3A_50, %slice3A_49 : vector<2048x128xf32>
    %get3A_52 = arith.constant 512 : index
    %get3A_53 = vector.load %arg2[%get3A_52] : memref<8192xf32, #tpu.memory_space<vmem>>, vector<128xf32>
    %broadcast_in_dim3A_54 = vector.shape_cast %get3A_53 : vector<128xf32> to vector<1x128xf32>
    %add3A_55 = vector.broadcast %broadcast_in_dim3A_54 : vector<1x128xf32> to vector<2048x128xf32>
    %add3A_56 = arith.addf %sub3A_51, %add3A_55 : vector<2048x128xf32>
    %slice3A_57 = vector.extract_strided_slice %dot_general3A_19 {offsets = [0, 640], sizes = [2048, 128], strides = [1, 1]} : vector<2048x1024xf32> to vector<2048x128xf32>
    %sub3A_58 = vector.broadcast %get3A_4 : vector<2048x1xf32> to vector<2048x128xf32>
    %sub3A_59 = arith.subf %sub3A_58, %slice3A_57 : vector<2048x128xf32>
    %get3A_60 = arith.constant 640 : index
    %get3A_61 = vector.load %arg2[%get3A_60] : memref<8192xf32, #tpu.memory_space<vmem>>, vector<128xf32>
    %broadcast_in_dim3A_62 = vector.shape_cast %get3A_61 : vector<128xf32> to vector<1x128xf32>
    %add3A_63 = vector.broadcast %broadcast_in_dim3A_62 : vector<1x128xf32> to vector<2048x128xf32>
    %add3A_64 = arith.addf %sub3A_59, %add3A_63 : vector<2048x128xf32>
    %slice3A_65 = vector.extract_strided_slice %dot_general3A_19 {offsets = [0, 768], sizes = [2048, 128], strides = [1, 1]} : vector<2048x1024xf32> to vector<2048x128xf32>
    %sub3A_66 = vector.broadcast %get3A_4 : vector<2048x1xf32> to vector<2048x128xf32>
    %sub3A_67 = arith.subf %sub3A_66, %slice3A_65 : vector<2048x128xf32>
    %get3A_68 = arith.constant 768 : index
    %get3A_69 = vector.load %arg2[%get3A_68] : memref<8192xf32, #tpu.memory_space<vmem>>, vector<128xf32>
    %broadcast_in_dim3A_70 = vector.shape_cast %get3A_69 : vector<128xf32> to vector<1x128xf32>
    %add3A_71 = vector.broadcast %broadcast_in_dim3A_70 : vector<1x128xf32> to vector<2048x128xf32>
    %add3A_72 = arith.addf %sub3A_67, %add3A_71 : vector<2048x128xf32>
    %slice3A_73 = vector.extract_strided_slice %dot_general3A_19 {offsets = [0, 896], sizes = [2048, 128], strides = [1, 1]} : vector<2048x1024xf32> to vector<2048x128xf32>
    %sub3A_74 = vector.broadcast %get3A_4 : vector<2048x1xf32> to vector<2048x128xf32>
    %sub3A_75 = arith.subf %sub3A_74, %slice3A_73 : vector<2048x128xf32>
    %get3A_76 = arith.constant 896 : index
    %get3A_77 = vector.load %arg2[%get3A_76] : memref<8192xf32, #tpu.memory_space<vmem>>, vector<128xf32>
    %broadcast_in_dim3A_78 = vector.shape_cast %get3A_77 : vector<128xf32> to vector<1x128xf32>
    %add3A_79 = vector.broadcast %broadcast_in_dim3A_78 : vector<1x128xf32> to vector<2048x128xf32>
    %add3A_80 = arith.addf %sub3A_75, %add3A_79 : vector<2048x128xf32>
    %broadcast_in_dim3A_81 = arith.constant 0 : i32
    %broadcast_in_dim3A_82 = vector.broadcast %broadcast_in_dim3A_81 : i32 to vector<2048x128xi32>
    %lt3A = arith.cmpf olt, %add3A_32, %add3A_24 : vector<2048x128xf32>
    %select_n3A = arith.select %lt3A, %add3A_32, %add3A_24 : vector<2048x128xi1>, vector<2048x128xf32>
    %jit3A = arith.constant 1 : i32
    %broadcast_in_dim3A_83 = vector.broadcast %jit3A : i32 to vector<2048x128xi32>
    %select_n3A_84 = arith.select %lt3A, %broadcast_in_dim3A_83, %broadcast_in_dim3A_82 : vector<2048x128xi1>, vector<2048x128xi32>
    %lt3A_85 = arith.cmpf olt, %add3A_40, %select_n3A : vector<2048x128xf32>
    %select_n3A_86 = arith.select %lt3A_85, %add3A_40, %select_n3A : vector<2048x128xi1>, vector<2048x128xf32>
    %jit3A_87 = arith.constant 2 : i32
    %broadcast_in_dim3A_88 = vector.broadcast %jit3A_87 : i32 to vector<2048x128xi32>
    %select_n3A_89 = arith.select %lt3A_85, %broadcast_in_dim3A_88, %select_n3A_84 : vector<2048x128xi1>, vector<2048x128xi32>
    %lt3A_90 = arith.cmpf olt, %add3A_48, %select_n3A_86 : vector<2048x128xf32>
    %select_n3A_91 = arith.select %lt3A_90, %add3A_48, %select_n3A_86 : vector<2048x128xi1>, vector<2048x128xf32>
    %jit3A_92 = arith.constant 3 : i32
    %broadcast_in_dim3A_93 = vector.broadcast %jit3A_92 : i32 to vector<2048x128xi32>
    %select_n3A_94 = arith.select %lt3A_90, %broadcast_in_dim3A_93, %select_n3A_89 : vector<2048x128xi1>, vector<2048x128xi32>
    %lt3A_95 = arith.cmpf olt, %add3A_56, %select_n3A_91 : vector<2048x128xf32>
    %select_n3A_96 = arith.select %lt3A_95, %add3A_56, %select_n3A_91 : vector<2048x128xi1>, vector<2048x128xf32>
    %jit3A_97 = arith.constant 4 : i32
    %broadcast_in_dim3A_98 = vector.broadcast %jit3A_97 : i32 to vector<2048x128xi32>
    %select_n3A_99 = arith.select %lt3A_95, %broadcast_in_dim3A_98, %select_n3A_94 : vector<2048x128xi1>, vector<2048x128xi32>
    %lt3A_100 = arith.cmpf olt, %add3A_64, %select_n3A_96 : vector<2048x128xf32>
    %select_n3A_101 = arith.select %lt3A_100, %add3A_64, %select_n3A_96 : vector<2048x128xi1>, vector<2048x128xf32>
    %jit3A_102 = arith.constant 5 : i32
    %broadcast_in_dim3A_103 = vector.broadcast %jit3A_102 : i32 to vector<2048x128xi32>
    %select_n3A_104 = arith.select %lt3A_100, %broadcast_in_dim3A_103, %select_n3A_99 : vector<2048x128xi1>, vector<2048x128xi32>
    %lt3A_105 = arith.cmpf olt, %add3A_72, %select_n3A_101 : vector<2048x128xf32>
    %select_n3A_106 = arith.select %lt3A_105, %add3A_72, %select_n3A_101 : vector<2048x128xi1>, vector<2048x128xf32>
    %jit3A_107 = arith.constant 6 : i32
    %broadcast_in_dim3A_108 = vector.broadcast %jit3A_107 : i32 to vector<2048x128xi32>
    %select_n3A_109 = arith.select %lt3A_105, %broadcast_in_dim3A_108, %select_n3A_104 : vector<2048x128xi1>, vector<2048x128xi32>
    %lt3A_110 = arith.cmpf olt, %add3A_80, %select_n3A_106 : vector<2048x128xf32>
    %select_n3A_111 = arith.select %lt3A_110, %add3A_80, %select_n3A_106 : vector<2048x128xi1>, vector<2048x128xf32>
    %jit3A_112 = arith.constant 7 : i32
    %broadcast_in_dim3A_113 = vector.broadcast %jit3A_112 : i32 to vector<2048x128xi32>
    %select_n3A_114 = arith.select %lt3A_110, %broadcast_in_dim3A_113, %select_n3A_109 : vector<2048x128xi1>, vector<2048x128xi32>
    %lt3A_115 = arith.cmpf olt, %select_n3A_111, %broadcast_in_dim3A_5 : vector<2048x128xf32>
    %select_n3A_116 = arith.select %lt3A_115, %select_n3A_111, %broadcast_in_dim3A_5 : vector<2048x128xi1>, vector<2048x128xf32>
    %select_n3A_117 = arith.select %lt3A_115, %select_n3A_114, %broadcast_in_dim3A_7 : vector<2048x128xi1>, vector<2048x128xi32>
    %get3A_118 = arith.constant 1024 : index
    %get3A_119 = arith.constant 0 : index
    %get3A_120 = vector.load %arg1[%get3A_118, %get3A_119] : memref<8192x256xbf16, #tpu.memory_space<vmem>>, vector<1024x256xbf16>
    %dot_general3A_121 = arith.constant dense<0.000000e+00> : vector<2048x1024xf32>
    %dot_general3A_122 = tpu.matmul %get3A_1, %get3A_120, %dot_general3A_121 {dimension_numbers = #tpu.dot_dimension_numbers<[1], [1], [0], [0], [0, 0, 1, 0], [], []>, transpose_lhs_hint = false} : vector<2048x256xbf16>, vector<1024x256xbf16>, vector<2048x1024xf32> -> vector<2048x1024xf32>
    %slice3A_123 = vector.extract_strided_slice %dot_general3A_122 {offsets = [0, 0], sizes = [2048, 128], strides = [1, 1]} : vector<2048x1024xf32> to vector<2048x128xf32>
    %sub3A_124 = vector.broadcast %get3A_4 : vector<2048x1xf32> to vector<2048x128xf32>
    %sub3A_125 = arith.subf %sub3A_124, %slice3A_123 : vector<2048x128xf32>
    %get3A_126 = arith.constant 1024 : index
    %get3A_127 = vector.load %arg2[%get3A_126] : memref<8192xf32, #tpu.memory_space<vmem>>, vector<128xf32>
    %broadcast_in_dim3A_128 = vector.shape_cast %get3A_127 : vector<128xf32> to vector<1x128xf32>
    %add3A_129 = vector.broadcast %broadcast_in_dim3A_128 : vector<1x128xf32> to vector<2048x128xf32>
    %add3A_130 = arith.addf %sub3A_125, %add3A_129 : vector<2048x128xf32>
    %slice3A_131 = vector.extract_strided_slice %dot_general3A_122 {offsets = [0, 128], sizes = [2048, 128], strides = [1, 1]} : vector<2048x1024xf32> to vector<2048x128xf32>
    %sub3A_132 = vector.broadcast %get3A_4 : vector<2048x1xf32> to vector<2048x128xf32>
    %sub3A_133 = arith.subf %sub3A_132, %slice3A_131 : vector<2048x128xf32>
    %get3A_134 = arith.constant 1152 : index
    %get3A_135 = vector.load %arg2[%get3A_134] : memref<8192xf32, #tpu.memory_space<vmem>>, vector<128xf32>
    %broadcast_in_dim3A_136 = vector.shape_cast %get3A_135 : vector<128xf32> to vector<1x128xf32>
    %add3A_137 = vector.broadcast %broadcast_in_dim3A_136 : vector<1x128xf32> to vector<2048x128xf32>
    %add3A_138 = arith.addf %sub3A_133, %add3A_137 : vector<2048x128xf32>
    %slice3A_139 = vector.extract_strided_slice %dot_general3A_122 {offsets = [0, 256], sizes = [2048, 128], strides = [1, 1]} : vector<2048x1024xf32> to vector<2048x128xf32>
    %sub3A_140 = vector.broadcast %get3A_4 : vector<2048x1xf32> to vector<2048x128xf32>
    %sub3A_141 = arith.subf %sub3A_140, %slice3A_139 : vector<2048x128xf32>
    %get3A_142 = arith.constant 1280 : index
    %get3A_143 = vector.load %arg2[%get3A_142] : memref<8192xf32, #tpu.memory_space<vmem>>, vector<128xf32>
    %broadcast_in_dim3A_144 = vector.shape_cast %get3A_143 : vector<128xf32> to vector<1x128xf32>
    %add3A_145 = vector.broadcast %broadcast_in_dim3A_144 : vector<1x128xf32> to vector<2048x128xf32>
    %add3A_146 = arith.addf %sub3A_141, %add3A_145 : vector<2048x128xf32>
    %slice3A_147 = vector.extract_strided_slice %dot_general3A_122 {offsets = [0, 384], sizes = [2048, 128], strides = [1, 1]} : vector<2048x1024xf32> to vector<2048x128xf32>
    %sub3A_148 = vector.broadcast %get3A_4 : vector<2048x1xf32> to vector<2048x128xf32>
    %sub3A_149 = arith.subf %sub3A_148, %slice3A_147 : vector<2048x128xf32>
    %get3A_150 = arith.constant 1408 : index
    %get3A_151 = vector.load %arg2[%get3A_150] : memref<8192xf32, #tpu.memory_space<vmem>>, vector<128xf32>
    %broadcast_in_dim3A_152 = vector.shape_cast %get3A_151 : vector<128xf32> to vector<1x128xf32>
    %add3A_153 = vector.broadcast %broadcast_in_dim3A_152 : vector<1x128xf32> to vector<2048x128xf32>
    %add3A_154 = arith.addf %sub3A_149, %add3A_153 : vector<2048x128xf32>
    %slice3A_155 = vector.extract_strided_slice %dot_general3A_122 {offsets = [0, 512], sizes = [2048, 128], strides = [1, 1]} : vector<2048x1024xf32> to vector<2048x128xf32>
    %sub3A_156 = vector.broadcast %get3A_4 : vector<2048x1xf32> to vector<2048x128xf32>
    %sub3A_157 = arith.subf %sub3A_156, %slice3A_155 : vector<2048x128xf32>
    %get3A_158 = arith.constant 1536 : index
    %get3A_159 = vector.load %arg2[%get3A_158] : memref<8192xf32, #tpu.memory_space<vmem>>, vector<128xf32>
    %broadcast_in_dim3A_160 = vector.shape_cast %get3A_159 : vector<128xf32> to vector<1x128xf32>
    %add3A_161 = vector.broadcast %broadcast_in_dim3A_160 : vector<1x128xf32> to vector<2048x128xf32>
    %add3A_162 = arith.addf %sub3A_157, %add3A_161 : vector<2048x128xf32>
    %slice3A_163 = vector.extract_strided_slice %dot_general3A_122 {offsets = [0, 640], sizes = [2048, 128], strides = [1, 1]} : vector<2048x1024xf32> to vector<2048x128xf32>
    %sub3A_164 = vector.broadcast %get3A_4 : vector<2048x1xf32> to vector<2048x128xf32>
    %sub3A_165 = arith.subf %sub3A_164, %slice3A_163 : vector<2048x128xf32>
    %get3A_166 = arith.constant 1664 : index
    %get3A_167 = vector.load %arg2[%get3A_166] : memref<8192xf32, #tpu.memory_space<vmem>>, vector<128xf32>
    %broadcast_in_dim3A_168 = vector.shape_cast %get3A_167 : vector<128xf32> to vector<1x128xf32>
    %add3A_169 = vector.broadcast %broadcast_in_dim3A_168 : vector<1x128xf32> to vector<2048x128xf32>
    %add3A_170 = arith.addf %sub3A_165, %add3A_169 : vector<2048x128xf32>
    %slice3A_171 = vector.extract_strided_slice %dot_general3A_122 {offsets = [0, 768], sizes = [2048, 128], strides = [1, 1]} : vector<2048x1024xf32> to vector<2048x128xf32>
    %sub3A_172 = vector.broadcast %get3A_4 : vector<2048x1xf32> to vector<2048x128xf32>
    %sub3A_173 = arith.subf %sub3A_172, %slice3A_171 : vector<2048x128xf32>
    %get3A_174 = arith.constant 1792 : index
    %get3A_175 = vector.load %arg2[%get3A_174] : memref<8192xf32, #tpu.memory_space<vmem>>, vector<128xf32>
    %broadcast_in_dim3A_176 = vector.shape_cast %get3A_175 : vector<128xf32> to vector<1x128xf32>
    %add3A_177 = vector.broadcast %broadcast_in_dim3A_176 : vector<1x128xf32> to vector<2048x128xf32>
    %add3A_178 = arith.addf %sub3A_173, %add3A_177 : vector<2048x128xf32>
    %slice3A_179 = vector.extract_strided_slice %dot_general3A_122 {offsets = [0, 896], sizes = [2048, 128], strides = [1, 1]} : vector<2048x1024xf32> to vector<2048x128xf32>
    %sub3A_180 = vector.broadcast %get3A_4 : vector<2048x1xf32> to vector<2048x128xf32>
    %sub3A_181 = arith.subf %sub3A_180, %slice3A_179 : vector<2048x128xf32>
    %get3A_182 = arith.constant 1920 : index
    %get3A_183 = vector.load %arg2[%get3A_182] : memref<8192xf32, #tpu.memory_space<vmem>>, vector<128xf32>
    %broadcast_in_dim3A_184 = vector.shape_cast %get3A_183 : vector<128xf32> to vector<1x128xf32>
    %add3A_185 = vector.broadcast %broadcast_in_dim3A_184 : vector<1x128xf32> to vector<2048x128xf32>
    %add3A_186 = arith.addf %sub3A_181, %add3A_185 : vector<2048x128xf32>
    %broadcast_in_dim3A_187 = arith.constant 8 : i32
    %broadcast_in_dim3A_188 = vector.broadcast %broadcast_in_dim3A_187 : i32 to vector<2048x128xi32>
    %lt3A_189 = arith.cmpf olt, %add3A_138, %add3A_130 : vector<2048x128xf32>
    %select_n3A_190 = arith.select %lt3A_189, %add3A_138, %add3A_130 : vector<2048x128xi1>, vector<2048x128xf32>
    %jit3A_191 = arith.constant 9 : i32
    %broadcast_in_dim3A_192 = vector.broadcast %jit3A_191 : i32 to vector<2048x128xi32>
    %select_n3A_193 = arith.select %lt3A_189, %broadcast_in_dim3A_192, %broadcast_in_dim3A_188 : vector<2048x128xi1>, vector<2048x128xi32>
    %lt3A_194 = arith.cmpf olt, %add3A_146, %select_n3A_190 : vector<2048x128xf32>
    %select_n3A_195 = arith.select %lt3A_194, %add3A_146, %select_n3A_190 : vector<2048x128xi1>, vector<2048x128xf32>
    %jit3A_196 = arith.constant 10 : i32
    %broadcast_in_dim3A_197 = vector.broadcast %jit3A_196 : i32 to vector<2048x128xi32>
    %select_n3A_198 = arith.select %lt3A_194, %broadcast_in_dim3A_197, %select_n3A_193 : vector<2048x128xi1>, vector<2048x128xi32>
    %lt3A_199 = arith.cmpf olt, %add3A_154, %select_n3A_195 : vector<2048x128xf32>
    %select_n3A_200 = arith.select %lt3A_199, %add3A_154, %select_n3A_195 : vector<2048x128xi1>, vector<2048x128xf32>
    %jit3A_201 = arith.constant 11 : i32
    %broadcast_in_dim3A_202 = vector.broadcast %jit3A_201 : i32 to vector<2048x128xi32>
    %select_n3A_203 = arith.select %lt3A_199, %broadcast_in_dim3A_202, %select_n3A_198 : vector<2048x128xi1>, vector<2048x128xi32>
    %lt3A_204 = arith.cmpf olt, %add3A_162, %select_n3A_200 : vector<2048x128xf32>
    %select_n3A_205 = arith.select %lt3A_204, %add3A_162, %select_n3A_200 : vector<2048x128xi1>, vector<2048x128xf32>
    %jit3A_206 = arith.constant 12 : i32
    %broadcast_in_dim3A_207 = vector.broadcast %jit3A_206 : i32 to vector<2048x128xi32>
    %select_n3A_208 = arith.select %lt3A_204, %broadcast_in_dim3A_207, %select_n3A_203 : vector<2048x128xi1>, vector<2048x128xi32>
    %lt3A_209 = arith.cmpf olt, %add3A_170, %select_n3A_205 : vector<2048x128xf32>
    %select_n3A_210 = arith.select %lt3A_209, %add3A_170, %select_n3A_205 : vector<2048x128xi1>, vector<2048x128xf32>
    %jit3A_211 = arith.constant 13 : i32
    %broadcast_in_dim3A_212 = vector.broadcast %jit3A_211 : i32 to vector<2048x128xi32>
    %select_n3A_213 = arith.select %lt3A_209, %broadcast_in_dim3A_212, %select_n3A_208 : vector<2048x128xi1>, vector<2048x128xi32>
    %lt3A_214 = arith.cmpf olt, %add3A_178, %select_n3A_210 : vector<2048x128xf32>
    %select_n3A_215 = arith.select %lt3A_214, %add3A_178, %select_n3A_210 : vector<2048x128xi1>, vector<2048x128xf32>
    %jit3A_216 = arith.constant 14 : i32
    %broadcast_in_dim3A_217 = vector.broadcast %jit3A_216 : i32 to vector<2048x128xi32>
    %select_n3A_218 = arith.select %lt3A_214, %broadcast_in_dim3A_217, %select_n3A_213 : vector<2048x128xi1>, vector<2048x128xi32>
    %lt3A_219 = arith.cmpf olt, %add3A_186, %select_n3A_215 : vector<2048x128xf32>
    %select_n3A_220 = arith.select %lt3A_219, %add3A_186, %select_n3A_215 : vector<2048x128xi1>, vector<2048x128xf32>
    %jit3A_221 = arith.constant 15 : i32
    %broadcast_in_dim3A_222 = vector.broadcast %jit3A_221 : i32 to vector<2048x128xi32>
    %select_n3A_223 = arith.select %lt3A_219, %broadcast_in_dim3A_222, %select_n3A_218 : vector<2048x128xi1>, vector<2048x128xi32>
    %lt3A_224 = arith.cmpf olt, %select_n3A_220, %select_n3A_116 : vector<2048x128xf32>
    %select_n3A_225 = arith.select %lt3A_224, %select_n3A_220, %select_n3A_116 : vector<2048x128xi1>, vector<2048x128xf32>
    %select_n3A_226 = arith.select %lt3A_224, %select_n3A_223, %select_n3A_117 : vector<2048x128xi1>, vector<2048x128xi32>
    %get3A_227 = arith.constant 2048 : index
    %get3A_228 = arith.constant 0 : index
    %get3A_229 = vector.load %arg1[%get3A_227, %get3A_228] : memref<8192x256xbf16, #tpu.memory_space<vmem>>, vector<1024x256xbf16>
    %dot_general3A_230 = arith.constant dense<0.000000e+00> : vector<2048x1024xf32>
    %dot_general3A_231 = tpu.matmul %get3A_1, %get3A_229, %dot_general3A_230 {dimension_numbers = #tpu.dot_dimension_numbers<[1], [1], [0], [0], [0, 0, 1, 0], [], []>, transpose_lhs_hint = false} : vector<2048x256xbf16>, vector<1024x256xbf16>, vector<2048x1024xf32> -> vector<2048x1024xf32>
    %slice3A_232 = vector.extract_strided_slice %dot_general3A_231 {offsets = [0, 0], sizes = [2048, 128], strides = [1, 1]} : vector<2048x1024xf32> to vector<2048x128xf32>
    %sub3A_233 = vector.broadcast %get3A_4 : vector<2048x1xf32> to vector<2048x128xf32>
    %sub3A_234 = arith.subf %sub3A_233, %slice3A_232 : vector<2048x128xf32>
    %get3A_235 = arith.constant 2048 : index
    %get3A_236 = vector.load %arg2[%get3A_235] : memref<8192xf32, #tpu.memory_space<vmem>>, vector<128xf32>
    %broadcast_in_dim3A_237 = vector.shape_cast %get3A_236 : vector<128xf32> to vector<1x128xf32>
    %add3A_238 = vector.broadcast %broadcast_in_dim3A_237 : vector<1x128xf32> to vector<2048x128xf32>
    %add3A_239 = arith.addf %sub3A_234, %add3A_238 : vector<2048x128xf32>
    %slice3A_240 = vector.extract_strided_slice %dot_general3A_231 {offsets = [0, 128], sizes = [2048, 128], strides = [1, 1]} : vector<2048x1024xf32> to vector<2048x128xf32>
    %sub3A_241 = vector.broadcast %get3A_4 : vector<2048x1xf32> to vector<2048x128xf32>
    %sub3A_242 = arith.subf %sub3A_241, %slice3A_240 : vector<2048x128xf32>
    %get3A_243 = arith.constant 2176 : index
    %get3A_244 = vector.load %arg2[%get3A_243] : memref<8192xf32, #tpu.memory_space<vmem>>, vector<128xf32>
    %broadcast_in_dim3A_245 = vector.shape_cast %get3A_244 : vector<128xf32> to vector<1x128xf32>
    %add3A_246 = vector.broadcast %broadcast_in_dim3A_245 : vector<1x128xf32> to vector<2048x128xf32>
    %add3A_247 = arith.addf %sub3A_242, %add3A_246 : vector<2048x128xf32>
    %slice3A_248 = vector.extract_strided_slice %dot_general3A_231 {offsets = [0, 256], sizes = [2048, 128], strides = [1, 1]} : vector<2048x1024xf32> to vector<2048x128xf32>
    %sub3A_249 = vector.broadcast %get3A_4 : vector<2048x1xf32> to vector<2048x128xf32>
    %sub3A_250 = arith.subf %sub3A_249, %slice3A_248 : vector<2048x128xf32>
    %get3A_251 = arith.constant 2304 : index
    %get3A_252 = vector.load %arg2[%get3A_251] : memref<8192xf32, #tpu.memory_space<vmem>>, vector<128xf32>
    %broadcast_in_dim3A_253 = vector.shape_cast %get3A_252 : vector<128xf32> to vector<1x128xf32>
    %add3A_254 = vector.broadcast %broadcast_in_dim3A_253 : vector<1x128xf32> to vector<2048x128xf32>
    %add3A_255 = arith.addf %sub3A_250, %add3A_254 : vector<2048x128xf32>
    %slice3A_256 = vector.extract_strided_slice %dot_general3A_231 {offsets = [0, 384], sizes = [2048, 128], strides = [1, 1]} : vector<2048x1024xf32> to vector<2048x128xf32>
    %sub3A_257 = vector.broadcast %get3A_4 : vector<2048x1xf32> to vector<2048x128xf32>
    %sub3A_258 = arith.subf %sub3A_257, %slice3A_256 : vector<2048x128xf32>
    %get3A_259 = arith.constant 2432 : index
    %get3A_260 = vector.load %arg2[%get3A_259] : memref<8192xf32, #tpu.memory_space<vmem>>, vector<128xf32>
    %broadcast_in_dim3A_261 = vector.shape_cast %get3A_260 : vector<128xf32> to vector<1x128xf32>
    %add3A_262 = vector.broadcast %broadcast_in_dim3A_261 : vector<1x128xf32> to vector<2048x128xf32>
    %add3A_263 = arith.addf %sub3A_258, %add3A_262 : vector<2048x128xf32>
    %slice3A_264 = vector.extract_strided_slice %dot_general3A_231 {offsets = [0, 512], sizes = [2048, 128], strides = [1, 1]} : vector<2048x1024xf32> to vector<2048x128xf32>
    %sub3A_265 = vector.broadcast %get3A_4 : vector<2048x1xf32> to vector<2048x128xf32>
    %sub3A_266 = arith.subf %sub3A_265, %slice3A_264 : vector<2048x128xf32>
    %get3A_267 = arith.constant 2560 : index
    %get3A_268 = vector.load %arg2[%get3A_267] : memref<8192xf32, #tpu.memory_space<vmem>>, vector<128xf32>
    %broadcast_in_dim3A_269 = vector.shape_cast %get3A_268 : vector<128xf32> to vector<1x128xf32>
    %add3A_270 = vector.broadcast %broadcast_in_dim3A_269 : vector<1x128xf32> to vector<2048x128xf32>
    %add3A_271 = arith.addf %sub3A_266, %add3A_270 : vector<2048x128xf32>
    %slice3A_272 = vector.extract_strided_slice %dot_general3A_231 {offsets = [0, 640], sizes = [2048, 128], strides = [1, 1]} : vector<2048x1024xf32> to vector<2048x128xf32>
    %sub3A_273 = vector.broadcast %get3A_4 : vector<2048x1xf32> to vector<2048x128xf32>
    %sub3A_274 = arith.subf %sub3A_273, %slice3A_272 : vector<2048x128xf32>
    %get3A_275 = arith.constant 2688 : index
    %get3A_276 = vector.load %arg2[%get3A_275] : memref<8192xf32, #tpu.memory_space<vmem>>, vector<128xf32>
    %broadcast_in_dim3A_277 = vector.shape_cast %get3A_276 : vector<128xf32> to vector<1x128xf32>
    %add3A_278 = vector.broadcast %broadcast_in_dim3A_277 : vector<1x128xf32> to vector<2048x128xf32>
    %add3A_279 = arith.addf %sub3A_274, %add3A_278 : vector<2048x128xf32>
    %slice3A_280 = vector.extract_strided_slice %dot_general3A_231 {offsets = [0, 768], sizes = [2048, 128], strides = [1, 1]} : vector<2048x1024xf32> to vector<2048x128xf32>
    %sub3A_281 = vector.broadcast %get3A_4 : vector<2048x1xf32> to vector<2048x128xf32>
    %sub3A_282 = arith.subf %sub3A_281, %slice3A_280 : vector<2048x128xf32>
    %get3A_283 = arith.constant 2816 : index
    %get3A_284 = vector.load %arg2[%get3A_283] : memref<8192xf32, #tpu.memory_space<vmem>>, vector<128xf32>
    %broadcast_in_dim3A_285 = vector.shape_cast %get3A_284 : vector<128xf32> to vector<1x128xf32>
    %add3A_286 = vector.broadcast %broadcast_in_dim3A_285 : vector<1x128xf32> to vector<2048x128xf32>
    %add3A_287 = arith.addf %sub3A_282, %add3A_286 : vector<2048x128xf32>
    %slice3A_288 = vector.extract_strided_slice %dot_general3A_231 {offsets = [0, 896], sizes = [2048, 128], strides = [1, 1]} : vector<2048x1024xf32> to vector<2048x128xf32>
    %sub3A_289 = vector.broadcast %get3A_4 : vector<2048x1xf32> to vector<2048x128xf32>
    %sub3A_290 = arith.subf %sub3A_289, %slice3A_288 : vector<2048x128xf32>
    %get3A_291 = arith.constant 2944 : index
    %get3A_292 = vector.load %arg2[%get3A_291] : memref<8192xf32, #tpu.memory_space<vmem>>, vector<128xf32>
    %broadcast_in_dim3A_293 = vector.shape_cast %get3A_292 : vector<128xf32> to vector<1x128xf32>
    %add3A_294 = vector.broadcast %broadcast_in_dim3A_293 : vector<1x128xf32> to vector<2048x128xf32>
    %add3A_295 = arith.addf %sub3A_290, %add3A_294 : vector<2048x128xf32>
    %lt3A_296 = arith.constant 48 : i32
    %lt3A_297 = vector.broadcast %lt3A_296 : i32 to vector<2048x128xi32>
    %lt3A_298 = arith.cmpi slt, %iota3A, %lt3A_297 : vector<2048x128xi32>
    %jit3A_299 = arith.constant 0x7F800000 : f32
    %broadcast_in_dim3A_300 = vector.broadcast %jit3A_299 : f32 to vector<2048x128xf32>
    %select_n3A_301 = arith.select %lt3A_298, %add3A_279, %broadcast_in_dim3A_300 : vector<2048x128xi1>, vector<2048x128xf32>
    %jit3A_302 = arith.constant 0x7F800000 : f32
    %broadcast_in_dim3A_303 = vector.broadcast %jit3A_302 : f32 to vector<2048x128xf32>
    %select_n3A_304 = arith.select %lt3A_298, %broadcast_in_dim3A_303, %add3A_279 : vector<2048x128xi1>, vector<2048x128xf32>
    %broadcast_in_dim3A_305 = arith.constant 16 : i32
    %broadcast_in_dim3A_306 = vector.broadcast %broadcast_in_dim3A_305 : i32 to vector<2048x128xi32>
    %lt3A_307 = arith.cmpf olt, %add3A_247, %add3A_239 : vector<2048x128xf32>
    %select_n3A_308 = arith.select %lt3A_307, %add3A_247, %add3A_239 : vector<2048x128xi1>, vector<2048x128xf32>
    %jit3A_309 = arith.constant 17 : i32
    %broadcast_in_dim3A_310 = vector.broadcast %jit3A_309 : i32 to vector<2048x128xi32>
    %select_n3A_311 = arith.select %lt3A_307, %broadcast_in_dim3A_310, %broadcast_in_dim3A_306 : vector<2048x128xi1>, vector<2048x128xi32>
    %lt3A_312 = arith.cmpf olt, %add3A_255, %select_n3A_308 : vector<2048x128xf32>
    %select_n3A_313 = arith.select %lt3A_312, %add3A_255, %select_n3A_308 : vector<2048x128xi1>, vector<2048x128xf32>
    %jit3A_314 = arith.constant 18 : i32
    %broadcast_in_dim3A_315 = vector.broadcast %jit3A_314 : i32 to vector<2048x128xi32>
    %select_n3A_316 = arith.select %lt3A_312, %broadcast_in_dim3A_315, %select_n3A_311 : vector<2048x128xi1>, vector<2048x128xi32>
    %lt3A_317 = arith.cmpf olt, %add3A_263, %select_n3A_313 : vector<2048x128xf32>
    %select_n3A_318 = arith.select %lt3A_317, %add3A_263, %select_n3A_313 : vector<2048x128xi1>, vector<2048x128xf32>
    %jit3A_319 = arith.constant 19 : i32
    %broadcast_in_dim3A_320 = vector.broadcast %jit3A_319 : i32 to vector<2048x128xi32>
    %select_n3A_321 = arith.select %lt3A_317, %broadcast_in_dim3A_320, %select_n3A_316 : vector<2048x128xi1>, vector<2048x128xi32>
    %lt3A_322 = arith.cmpf olt, %add3A_271, %select_n3A_318 : vector<2048x128xf32>
    %select_n3A_323 = arith.select %lt3A_322, %add3A_271, %select_n3A_318 : vector<2048x128xi1>, vector<2048x128xf32>
    %jit3A_324 = arith.constant 20 : i32
    %broadcast_in_dim3A_325 = vector.broadcast %jit3A_324 : i32 to vector<2048x128xi32>
    %select_n3A_326 = arith.select %lt3A_322, %broadcast_in_dim3A_325, %select_n3A_321 : vector<2048x128xi1>, vector<2048x128xi32>
    %lt3A_327 = arith.cmpf olt, %select_n3A_301, %select_n3A_323 : vector<2048x128xf32>
    %select_n3A_328 = arith.select %lt3A_327, %select_n3A_301, %select_n3A_323 : vector<2048x128xi1>, vector<2048x128xf32>
    %jit3A_329 = arith.constant 21 : i32
    %broadcast_in_dim3A_330 = vector.broadcast %jit3A_329 : i32 to vector<2048x128xi32>
    %select_n3A_331 = arith.select %lt3A_327, %broadcast_in_dim3A_330, %select_n3A_326 : vector<2048x128xi1>, vector<2048x128xi32>
    %lt3A_332 = arith.cmpf olt, %select_n3A_328, %select_n3A_225 : vector<2048x128xf32>
    %select_n3A_333 = arith.select %lt3A_332, %select_n3A_328, %select_n3A_225 : vector<2048x128xi1>, vector<2048x128xf32>
    %select_n3A_334 = arith.select %lt3A_332, %select_n3A_331, %select_n3A_226 : vector<2048x128xi1>, vector<2048x128xi32>
    %broadcast_in_dim3A_335 = arith.constant 21 : i32
    %broadcast_in_dim3A_336 = vector.broadcast %broadcast_in_dim3A_335 : i32 to vector<2048x128xi32>
    %lt3A_337 = arith.cmpf olt, %add3A_287, %select_n3A_304 : vector<2048x128xf32>
    %select_n3A_338 = arith.select %lt3A_337, %add3A_287, %select_n3A_304 : vector<2048x128xi1>, vector<2048x128xf32>
    %jit3A_339 = arith.constant 22 : i32
    %broadcast_in_dim3A_340 = vector.broadcast %jit3A_339 : i32 to vector<2048x128xi32>
    %select_n3A_341 = arith.select %lt3A_337, %broadcast_in_dim3A_340, %broadcast_in_dim3A_336 : vector<2048x128xi1>, vector<2048x128xi32>
    %lt3A_342 = arith.cmpf olt, %add3A_295, %select_n3A_338 : vector<2048x128xf32>
    %select_n3A_343 = arith.select %lt3A_342, %add3A_295, %select_n3A_338 : vector<2048x128xi1>, vector<2048x128xf32>
    %jit3A_344 = arith.constant 23 : i32
    %broadcast_in_dim3A_345 = vector.broadcast %jit3A_344 : i32 to vector<2048x128xi32>
    %select_n3A_346 = arith.select %lt3A_342, %broadcast_in_dim3A_345, %select_n3A_341 : vector<2048x128xi1>, vector<2048x128xi32>
    %lt3A_347 = arith.cmpf olt, %select_n3A_343, %broadcast_in_dim3A_9 : vector<2048x128xf32>
    %select_n3A_348 = arith.select %lt3A_347, %select_n3A_343, %broadcast_in_dim3A_9 : vector<2048x128xi1>, vector<2048x128xf32>
    %select_n3A_349 = arith.select %lt3A_347, %select_n3A_346, %broadcast_in_dim3A_11 : vector<2048x128xi1>, vector<2048x128xi32>
    %get3A_350 = arith.constant 3072 : index
    %get3A_351 = arith.constant 0 : index
    %get3A_352 = vector.load %arg1[%get3A_350, %get3A_351] : memref<8192x256xbf16, #tpu.memory_space<vmem>>, vector<1024x256xbf16>
    %dot_general3A_353 = arith.constant dense<0.000000e+00> : vector<2048x1024xf32>
    %dot_general3A_354 = tpu.matmul %get3A_1, %get3A_352, %dot_general3A_353 {dimension_numbers = #tpu.dot_dimension_numbers<[1], [1], [0], [0], [0, 0, 1, 0], [], []>, transpose_lhs_hint = false} : vector<2048x256xbf16>, vector<1024x256xbf16>, vector<2048x1024xf32> -> vector<2048x1024xf32>
    %slice3A_355 = vector.extract_strided_slice %dot_general3A_354 {offsets = [0, 0], sizes = [2048, 128], strides = [1, 1]} : vector<2048x1024xf32> to vector<2048x128xf32>
    %sub3A_356 = vector.broadcast %get3A_4 : vector<2048x1xf32> to vector<2048x128xf32>
    %sub3A_357 = arith.subf %sub3A_356, %slice3A_355 : vector<2048x128xf32>
    %get3A_358 = arith.constant 3072 : index
    %get3A_359 = vector.load %arg2[%get3A_358] : memref<8192xf32, #tpu.memory_space<vmem>>, vector<128xf32>
    %broadcast_in_dim3A_360 = vector.shape_cast %get3A_359 : vector<128xf32> to vector<1x128xf32>
    %add3A_361 = vector.broadcast %broadcast_in_dim3A_360 : vector<1x128xf32> to vector<2048x128xf32>
    %add3A_362 = arith.addf %sub3A_357, %add3A_361 : vector<2048x128xf32>
    %slice3A_363 = vector.extract_strided_slice %dot_general3A_354 {offsets = [0, 128], sizes = [2048, 128], strides = [1, 1]} : vector<2048x1024xf32> to vector<2048x128xf32>
    %sub3A_364 = vector.broadcast %get3A_4 : vector<2048x1xf32> to vector<2048x128xf32>
    %sub3A_365 = arith.subf %sub3A_364, %slice3A_363 : vector<2048x128xf32>
    %get3A_366 = arith.constant 3200 : index
    %get3A_367 = vector.load %arg2[%get3A_366] : memref<8192xf32, #tpu.memory_space<vmem>>, vector<128xf32>
    %broadcast_in_dim3A_368 = vector.shape_cast %get3A_367 : vector<128xf32> to vector<1x128xf32>
    %add3A_369 = vector.broadcast %broadcast_in_dim3A_368 : vector<1x128xf32> to vector<2048x128xf32>
    %add3A_370 = arith.addf %sub3A_365, %add3A_369 : vector<2048x128xf32>
    %slice3A_371 = vector.extract_strided_slice %dot_general3A_354 {offsets = [0, 256], sizes = [2048, 128], strides = [1, 1]} : vector<2048x1024xf32> to vector<2048x128xf32>
    %sub3A_372 = vector.broadcast %get3A_4 : vector<2048x1xf32> to vector<2048x128xf32>
    %sub3A_373 = arith.subf %sub3A_372, %slice3A_371 : vector<2048x128xf32>
    %get3A_374 = arith.constant 3328 : index
    %get3A_375 = vector.load %arg2[%get3A_374] : memref<8192xf32, #tpu.memory_space<vmem>>, vector<128xf32>
    %broadcast_in_dim3A_376 = vector.shape_cast %get3A_375 : vector<128xf32> to vector<1x128xf32>
    %add3A_377 = vector.broadcast %broadcast_in_dim3A_376 : vector<1x128xf32> to vector<2048x128xf32>
    %add3A_378 = arith.addf %sub3A_373, %add3A_377 : vector<2048x128xf32>
    %slice3A_379 = vector.extract_strided_slice %dot_general3A_354 {offsets = [0, 384], sizes = [2048, 128], strides = [1, 1]} : vector<2048x1024xf32> to vector<2048x128xf32>
    %sub3A_380 = vector.broadcast %get3A_4 : vector<2048x1xf32> to vector<2048x128xf32>
    %sub3A_381 = arith.subf %sub3A_380, %slice3A_379 : vector<2048x128xf32>
    %get3A_382 = arith.constant 3456 : index
    %get3A_383 = vector.load %arg2[%get3A_382] : memref<8192xf32, #tpu.memory_space<vmem>>, vector<128xf32>
    %broadcast_in_dim3A_384 = vector.shape_cast %get3A_383 : vector<128xf32> to vector<1x128xf32>
    %add3A_385 = vector.broadcast %broadcast_in_dim3A_384 : vector<1x128xf32> to vector<2048x128xf32>
    %add3A_386 = arith.addf %sub3A_381, %add3A_385 : vector<2048x128xf32>
    %slice3A_387 = vector.extract_strided_slice %dot_general3A_354 {offsets = [0, 512], sizes = [2048, 128], strides = [1, 1]} : vector<2048x1024xf32> to vector<2048x128xf32>
    %sub3A_388 = vector.broadcast %get3A_4 : vector<2048x1xf32> to vector<2048x128xf32>
    %sub3A_389 = arith.subf %sub3A_388, %slice3A_387 : vector<2048x128xf32>
    %get3A_390 = arith.constant 3584 : index
    %get3A_391 = vector.load %arg2[%get3A_390] : memref<8192xf32, #tpu.memory_space<vmem>>, vector<128xf32>
    %broadcast_in_dim3A_392 = vector.shape_cast %get3A_391 : vector<128xf32> to vector<1x128xf32>
    %add3A_393 = vector.broadcast %broadcast_in_dim3A_392 : vector<1x128xf32> to vector<2048x128xf32>
    %add3A_394 = arith.addf %sub3A_389, %add3A_393 : vector<2048x128xf32>
    %slice3A_395 = vector.extract_strided_slice %dot_general3A_354 {offsets = [0, 640], sizes = [2048, 128], strides = [1, 1]} : vector<2048x1024xf32> to vector<2048x128xf32>
    %sub3A_396 = vector.broadcast %get3A_4 : vector<2048x1xf32> to vector<2048x128xf32>
    %sub3A_397 = arith.subf %sub3A_396, %slice3A_395 : vector<2048x128xf32>
    %get3A_398 = arith.constant 3712 : index
    %get3A_399 = vector.load %arg2[%get3A_398] : memref<8192xf32, #tpu.memory_space<vmem>>, vector<128xf32>
    %broadcast_in_dim3A_400 = vector.shape_cast %get3A_399 : vector<128xf32> to vector<1x128xf32>
    %add3A_401 = vector.broadcast %broadcast_in_dim3A_400 : vector<1x128xf32> to vector<2048x128xf32>
    %add3A_402 = arith.addf %sub3A_397, %add3A_401 : vector<2048x128xf32>
    %slice3A_403 = vector.extract_strided_slice %dot_general3A_354 {offsets = [0, 768], sizes = [2048, 128], strides = [1, 1]} : vector<2048x1024xf32> to vector<2048x128xf32>
    %sub3A_404 = vector.broadcast %get3A_4 : vector<2048x1xf32> to vector<2048x128xf32>
    %sub3A_405 = arith.subf %sub3A_404, %slice3A_403 : vector<2048x128xf32>
    %get3A_406 = arith.constant 3840 : index
    %get3A_407 = vector.load %arg2[%get3A_406] : memref<8192xf32, #tpu.memory_space<vmem>>, vector<128xf32>
    %broadcast_in_dim3A_408 = vector.shape_cast %get3A_407 : vector<128xf32> to vector<1x128xf32>
    %add3A_409 = vector.broadcast %broadcast_in_dim3A_408 : vector<1x128xf32> to vector<2048x128xf32>
    %add3A_410 = arith.addf %sub3A_405, %add3A_409 : vector<2048x128xf32>
    %slice3A_411 = vector.extract_strided_slice %dot_general3A_354 {offsets = [0, 896], sizes = [2048, 128], strides = [1, 1]} : vector<2048x1024xf32> to vector<2048x128xf32>
    %sub3A_412 = vector.broadcast %get3A_4 : vector<2048x1xf32> to vector<2048x128xf32>
    %sub3A_413 = arith.subf %sub3A_412, %slice3A_411 : vector<2048x128xf32>
    %get3A_414 = arith.constant 3968 : index
    %get3A_415 = vector.load %arg2[%get3A_414] : memref<8192xf32, #tpu.memory_space<vmem>>, vector<128xf32>
    %broadcast_in_dim3A_416 = vector.shape_cast %get3A_415 : vector<128xf32> to vector<1x128xf32>
    %add3A_417 = vector.broadcast %broadcast_in_dim3A_416 : vector<1x128xf32> to vector<2048x128xf32>
    %add3A_418 = arith.addf %sub3A_413, %add3A_417 : vector<2048x128xf32>
    %broadcast_in_dim3A_419 = arith.constant 24 : i32
    %broadcast_in_dim3A_420 = vector.broadcast %broadcast_in_dim3A_419 : i32 to vector<2048x128xi32>
    %lt3A_421 = arith.cmpf olt, %add3A_370, %add3A_362 : vector<2048x128xf32>
    %select_n3A_422 = arith.select %lt3A_421, %add3A_370, %add3A_362 : vector<2048x128xi1>, vector<2048x128xf32>
    %jit3A_423 = arith.constant 25 : i32
    %broadcast_in_dim3A_424 = vector.broadcast %jit3A_423 : i32 to vector<2048x128xi32>
    %select_n3A_425 = arith.select %lt3A_421, %broadcast_in_dim3A_424, %broadcast_in_dim3A_420 : vector<2048x128xi1>, vector<2048x128xi32>
    %lt3A_426 = arith.cmpf olt, %add3A_378, %select_n3A_422 : vector<2048x128xf32>
    %select_n3A_427 = arith.select %lt3A_426, %add3A_378, %select_n3A_422 : vector<2048x128xi1>, vector<2048x128xf32>
    %jit3A_428 = arith.constant 26 : i32
    %broadcast_in_dim3A_429 = vector.broadcast %jit3A_428 : i32 to vector<2048x128xi32>
    %select_n3A_430 = arith.select %lt3A_426, %broadcast_in_dim3A_429, %select_n3A_425 : vector<2048x128xi1>, vector<2048x128xi32>
    %lt3A_431 = arith.cmpf olt, %add3A_386, %select_n3A_427 : vector<2048x128xf32>
    %select_n3A_432 = arith.select %lt3A_431, %add3A_386, %select_n3A_427 : vector<2048x128xi1>, vector<2048x128xf32>
    %jit3A_433 = arith.constant 27 : i32
    %broadcast_in_dim3A_434 = vector.broadcast %jit3A_433 : i32 to vector<2048x128xi32>
    %select_n3A_435 = arith.select %lt3A_431, %broadcast_in_dim3A_434, %select_n3A_430 : vector<2048x128xi1>, vector<2048x128xi32>
    %lt3A_436 = arith.cmpf olt, %add3A_394, %select_n3A_432 : vector<2048x128xf32>
    %select_n3A_437 = arith.select %lt3A_436, %add3A_394, %select_n3A_432 : vector<2048x128xi1>, vector<2048x128xf32>
    %jit3A_438 = arith.constant 28 : i32
    %broadcast_in_dim3A_439 = vector.broadcast %jit3A_438 : i32 to vector<2048x128xi32>
    %select_n3A_440 = arith.select %lt3A_436, %broadcast_in_dim3A_439, %select_n3A_435 : vector<2048x128xi1>, vector<2048x128xi32>
    %lt3A_441 = arith.cmpf olt, %add3A_402, %select_n3A_437 : vector<2048x128xf32>
    %select_n3A_442 = arith.select %lt3A_441, %add3A_402, %select_n3A_437 : vector<2048x128xi1>, vector<2048x128xf32>
    %jit3A_443 = arith.constant 29 : i32
    %broadcast_in_dim3A_444 = vector.broadcast %jit3A_443 : i32 to vector<2048x128xi32>
    %select_n3A_445 = arith.select %lt3A_441, %broadcast_in_dim3A_444, %select_n3A_440 : vector<2048x128xi1>, vector<2048x128xi32>
    %lt3A_446 = arith.cmpf olt, %add3A_410, %select_n3A_442 : vector<2048x128xf32>
    %select_n3A_447 = arith.select %lt3A_446, %add3A_410, %select_n3A_442 : vector<2048x128xi1>, vector<2048x128xf32>
    %jit3A_448 = arith.constant 30 : i32
    %broadcast_in_dim3A_449 = vector.broadcast %jit3A_448 : i32 to vector<2048x128xi32>
    %select_n3A_450 = arith.select %lt3A_446, %broadcast_in_dim3A_449, %select_n3A_445 : vector<2048x128xi1>, vector<2048x128xi32>
    %lt3A_451 = arith.cmpf olt, %add3A_418, %select_n3A_447 : vector<2048x128xf32>
    %select_n3A_452 = arith.select %lt3A_451, %add3A_418, %select_n3A_447 : vector<2048x128xi1>, vector<2048x128xf32>
    %jit3A_453 = arith.constant 31 : i32
    %broadcast_in_dim3A_454 = vector.broadcast %jit3A_453 : i32 to vector<2048x128xi32>
    %select_n3A_455 = arith.select %lt3A_451, %broadcast_in_dim3A_454, %select_n3A_450 : vector<2048x128xi1>, vector<2048x128xi32>
    %lt3A_456 = arith.cmpf olt, %select_n3A_452, %select_n3A_348 : vector<2048x128xf32>
    %select_n3A_457 = arith.select %lt3A_456, %select_n3A_452, %select_n3A_348 : vector<2048x128xi1>, vector<2048x128xf32>
    %select_n3A_458 = arith.select %lt3A_456, %select_n3A_455, %select_n3A_349 : vector<2048x128xi1>, vector<2048x128xi32>
    %get3A_459 = arith.constant 4096 : index
    %get3A_460 = arith.constant 0 : index
    %get3A_461 = vector.load %arg1[%get3A_459, %get3A_460] : memref<8192x256xbf16, #tpu.memory_space<vmem>>, vector<1024x256xbf16>
    %dot_general3A_462 = arith.constant dense<0.000000e+00> : vector<2048x1024xf32>
    %dot_general3A_463 = tpu.matmul %get3A_1, %get3A_461, %dot_general3A_462 {dimension_numbers = #tpu.dot_dimension_numbers<[1], [1], [0], [0], [0, 0, 1, 0], [], []>, transpose_lhs_hint = false} : vector<2048x256xbf16>, vector<1024x256xbf16>, vector<2048x1024xf32> -> vector<2048x1024xf32>
    %slice3A_464 = vector.extract_strided_slice %dot_general3A_463 {offsets = [0, 0], sizes = [2048, 128], strides = [1, 1]} : vector<2048x1024xf32> to vector<2048x128xf32>
    %sub3A_465 = vector.broadcast %get3A_4 : vector<2048x1xf32> to vector<2048x128xf32>
    %sub3A_466 = arith.subf %sub3A_465, %slice3A_464 : vector<2048x128xf32>
    %get3A_467 = arith.constant 4096 : index
    %get3A_468 = vector.load %arg2[%get3A_467] : memref<8192xf32, #tpu.memory_space<vmem>>, vector<128xf32>
    %broadcast_in_dim3A_469 = vector.shape_cast %get3A_468 : vector<128xf32> to vector<1x128xf32>
    %add3A_470 = vector.broadcast %broadcast_in_dim3A_469 : vector<1x128xf32> to vector<2048x128xf32>
    %add3A_471 = arith.addf %sub3A_466, %add3A_470 : vector<2048x128xf32>
    %slice3A_472 = vector.extract_strided_slice %dot_general3A_463 {offsets = [0, 128], sizes = [2048, 128], strides = [1, 1]} : vector<2048x1024xf32> to vector<2048x128xf32>
    %sub3A_473 = vector.broadcast %get3A_4 : vector<2048x1xf32> to vector<2048x128xf32>
    %sub3A_474 = arith.subf %sub3A_473, %slice3A_472 : vector<2048x128xf32>
    %get3A_475 = arith.constant 4224 : index
    %get3A_476 = vector.load %arg2[%get3A_475] : memref<8192xf32, #tpu.memory_space<vmem>>, vector<128xf32>
    %broadcast_in_dim3A_477 = vector.shape_cast %get3A_476 : vector<128xf32> to vector<1x128xf32>
    %add3A_478 = vector.broadcast %broadcast_in_dim3A_477 : vector<1x128xf32> to vector<2048x128xf32>
    %add3A_479 = arith.addf %sub3A_474, %add3A_478 : vector<2048x128xf32>
    %slice3A_480 = vector.extract_strided_slice %dot_general3A_463 {offsets = [0, 256], sizes = [2048, 128], strides = [1, 1]} : vector<2048x1024xf32> to vector<2048x128xf32>
    %sub3A_481 = vector.broadcast %get3A_4 : vector<2048x1xf32> to vector<2048x128xf32>
    %sub3A_482 = arith.subf %sub3A_481, %slice3A_480 : vector<2048x128xf32>
    %get3A_483 = arith.constant 4352 : index
    %get3A_484 = vector.load %arg2[%get3A_483] : memref<8192xf32, #tpu.memory_space<vmem>>, vector<128xf32>
    %broadcast_in_dim3A_485 = vector.shape_cast %get3A_484 : vector<128xf32> to vector<1x128xf32>
    %add3A_486 = vector.broadcast %broadcast_in_dim3A_485 : vector<1x128xf32> to vector<2048x128xf32>
    %add3A_487 = arith.addf %sub3A_482, %add3A_486 : vector<2048x128xf32>
    %slice3A_488 = vector.extract_strided_slice %dot_general3A_463 {offsets = [0, 384], sizes = [2048, 128], strides = [1, 1]} : vector<2048x1024xf32> to vector<2048x128xf32>
    %sub3A_489 = vector.broadcast %get3A_4 : vector<2048x1xf32> to vector<2048x128xf32>
    %sub3A_490 = arith.subf %sub3A_489, %slice3A_488 : vector<2048x128xf32>
    %get3A_491 = arith.constant 4480 : index
    %get3A_492 = vector.load %arg2[%get3A_491] : memref<8192xf32, #tpu.memory_space<vmem>>, vector<128xf32>
    %broadcast_in_dim3A_493 = vector.shape_cast %get3A_492 : vector<128xf32> to vector<1x128xf32>
    %add3A_494 = vector.broadcast %broadcast_in_dim3A_493 : vector<1x128xf32> to vector<2048x128xf32>
    %add3A_495 = arith.addf %sub3A_490, %add3A_494 : vector<2048x128xf32>
    %slice3A_496 = vector.extract_strided_slice %dot_general3A_463 {offsets = [0, 512], sizes = [2048, 128], strides = [1, 1]} : vector<2048x1024xf32> to vector<2048x128xf32>
    %sub3A_497 = vector.broadcast %get3A_4 : vector<2048x1xf32> to vector<2048x128xf32>
    %sub3A_498 = arith.subf %sub3A_497, %slice3A_496 : vector<2048x128xf32>
    %get3A_499 = arith.constant 4608 : index
    %get3A_500 = vector.load %arg2[%get3A_499] : memref<8192xf32, #tpu.memory_space<vmem>>, vector<128xf32>
    %broadcast_in_dim3A_501 = vector.shape_cast %get3A_500 : vector<128xf32> to vector<1x128xf32>
    %add3A_502 = vector.broadcast %broadcast_in_dim3A_501 : vector<1x128xf32> to vector<2048x128xf32>
    %add3A_503 = arith.addf %sub3A_498, %add3A_502 : vector<2048x128xf32>
    %slice3A_504 = vector.extract_strided_slice %dot_general3A_463 {offsets = [0, 640], sizes = [2048, 128], strides = [1, 1]} : vector<2048x1024xf32> to vector<2048x128xf32>
    %sub3A_505 = vector.broadcast %get3A_4 : vector<2048x1xf32> to vector<2048x128xf32>
    %sub3A_506 = arith.subf %sub3A_505, %slice3A_504 : vector<2048x128xf32>
    %get3A_507 = arith.constant 4736 : index
    %get3A_508 = vector.load %arg2[%get3A_507] : memref<8192xf32, #tpu.memory_space<vmem>>, vector<128xf32>
    %broadcast_in_dim3A_509 = vector.shape_cast %get3A_508 : vector<128xf32> to vector<1x128xf32>
    %add3A_510 = vector.broadcast %broadcast_in_dim3A_509 : vector<1x128xf32> to vector<2048x128xf32>
    %add3A_511 = arith.addf %sub3A_506, %add3A_510 : vector<2048x128xf32>
    %slice3A_512 = vector.extract_strided_slice %dot_general3A_463 {offsets = [0, 768], sizes = [2048, 128], strides = [1, 1]} : vector<2048x1024xf32> to vector<2048x128xf32>
    %sub3A_513 = vector.broadcast %get3A_4 : vector<2048x1xf32> to vector<2048x128xf32>
    %sub3A_514 = arith.subf %sub3A_513, %slice3A_512 : vector<2048x128xf32>
    %get3A_515 = arith.constant 4864 : index
    %get3A_516 = vector.load %arg2[%get3A_515] : memref<8192xf32, #tpu.memory_space<vmem>>, vector<128xf32>
    %broadcast_in_dim3A_517 = vector.shape_cast %get3A_516 : vector<128xf32> to vector<1x128xf32>
    %add3A_518 = vector.broadcast %broadcast_in_dim3A_517 : vector<1x128xf32> to vector<2048x128xf32>
    %add3A_519 = arith.addf %sub3A_514, %add3A_518 : vector<2048x128xf32>
    %slice3A_520 = vector.extract_strided_slice %dot_general3A_463 {offsets = [0, 896], sizes = [2048, 128], strides = [1, 1]} : vector<2048x1024xf32> to vector<2048x128xf32>
    %sub3A_521 = vector.broadcast %get3A_4 : vector<2048x1xf32> to vector<2048x128xf32>
    %sub3A_522 = arith.subf %sub3A_521, %slice3A_520 : vector<2048x128xf32>
    %get3A_523 = arith.constant 4992 : index
    %get3A_524 = vector.load %arg2[%get3A_523] : memref<8192xf32, #tpu.memory_space<vmem>>, vector<128xf32>
    %broadcast_in_dim3A_525 = vector.shape_cast %get3A_524 : vector<128xf32> to vector<1x128xf32>
    %add3A_526 = vector.broadcast %broadcast_in_dim3A_525 : vector<1x128xf32> to vector<2048x128xf32>
    %add3A_527 = arith.addf %sub3A_522, %add3A_526 : vector<2048x128xf32>
    %broadcast_in_dim3A_528 = arith.constant 32 : i32
    %broadcast_in_dim3A_529 = vector.broadcast %broadcast_in_dim3A_528 : i32 to vector<2048x128xi32>
    %lt3A_530 = arith.cmpf olt, %add3A_479, %add3A_471 : vector<2048x128xf32>
    %select_n3A_531 = arith.select %lt3A_530, %add3A_479, %add3A_471 : vector<2048x128xi1>, vector<2048x128xf32>
    %jit3A_532 = arith.constant 33 : i32
    %broadcast_in_dim3A_533 = vector.broadcast %jit3A_532 : i32 to vector<2048x128xi32>
    %select_n3A_534 = arith.select %lt3A_530, %broadcast_in_dim3A_533, %broadcast_in_dim3A_529 : vector<2048x128xi1>, vector<2048x128xi32>
    %lt3A_535 = arith.cmpf olt, %add3A_487, %select_n3A_531 : vector<2048x128xf32>
    %select_n3A_536 = arith.select %lt3A_535, %add3A_487, %select_n3A_531 : vector<2048x128xi1>, vector<2048x128xf32>
    %jit3A_537 = arith.constant 34 : i32
    %broadcast_in_dim3A_538 = vector.broadcast %jit3A_537 : i32 to vector<2048x128xi32>
    %select_n3A_539 = arith.select %lt3A_535, %broadcast_in_dim3A_538, %select_n3A_534 : vector<2048x128xi1>, vector<2048x128xi32>
    %lt3A_540 = arith.cmpf olt, %add3A_495, %select_n3A_536 : vector<2048x128xf32>
    %select_n3A_541 = arith.select %lt3A_540, %add3A_495, %select_n3A_536 : vector<2048x128xi1>, vector<2048x128xf32>
    %jit3A_542 = arith.constant 35 : i32
    %broadcast_in_dim3A_543 = vector.broadcast %jit3A_542 : i32 to vector<2048x128xi32>
    %select_n3A_544 = arith.select %lt3A_540, %broadcast_in_dim3A_543, %select_n3A_539 : vector<2048x128xi1>, vector<2048x128xi32>
    %lt3A_545 = arith.cmpf olt, %add3A_503, %select_n3A_541 : vector<2048x128xf32>
    %select_n3A_546 = arith.select %lt3A_545, %add3A_503, %select_n3A_541 : vector<2048x128xi1>, vector<2048x128xf32>
    %jit3A_547 = arith.constant 36 : i32
    %broadcast_in_dim3A_548 = vector.broadcast %jit3A_547 : i32 to vector<2048x128xi32>
    %select_n3A_549 = arith.select %lt3A_545, %broadcast_in_dim3A_548, %select_n3A_544 : vector<2048x128xi1>, vector<2048x128xi32>
    %lt3A_550 = arith.cmpf olt, %add3A_511, %select_n3A_546 : vector<2048x128xf32>
    %select_n3A_551 = arith.select %lt3A_550, %add3A_511, %select_n3A_546 : vector<2048x128xi1>, vector<2048x128xf32>
    %jit3A_552 = arith.constant 37 : i32
    %broadcast_in_dim3A_553 = vector.broadcast %jit3A_552 : i32 to vector<2048x128xi32>
    %select_n3A_554 = arith.select %lt3A_550, %broadcast_in_dim3A_553, %select_n3A_549 : vector<2048x128xi1>, vector<2048x128xi32>
    %lt3A_555 = arith.cmpf olt, %add3A_519, %select_n3A_551 : vector<2048x128xf32>
    %select_n3A_556 = arith.select %lt3A_555, %add3A_519, %select_n3A_551 : vector<2048x128xi1>, vector<2048x128xf32>
    %jit3A_557 = arith.constant 38 : i32
    %broadcast_in_dim3A_558 = vector.broadcast %jit3A_557 : i32 to vector<2048x128xi32>
    %select_n3A_559 = arith.select %lt3A_555, %broadcast_in_dim3A_558, %select_n3A_554 : vector<2048x128xi1>, vector<2048x128xi32>
    %lt3A_560 = arith.cmpf olt, %add3A_527, %select_n3A_556 : vector<2048x128xf32>
    %select_n3A_561 = arith.select %lt3A_560, %add3A_527, %select_n3A_556 : vector<2048x128xi1>, vector<2048x128xf32>
    %jit3A_562 = arith.constant 39 : i32
    %broadcast_in_dim3A_563 = vector.broadcast %jit3A_562 : i32 to vector<2048x128xi32>
    %select_n3A_564 = arith.select %lt3A_560, %broadcast_in_dim3A_563, %select_n3A_559 : vector<2048x128xi1>, vector<2048x128xi32>
    %lt3A_565 = arith.cmpf olt, %select_n3A_561, %select_n3A_457 : vector<2048x128xf32>
    %select_n3A_566 = arith.select %lt3A_565, %select_n3A_561, %select_n3A_457 : vector<2048x128xi1>, vector<2048x128xf32>
    %select_n3A_567 = arith.select %lt3A_565, %select_n3A_564, %select_n3A_458 : vector<2048x128xi1>, vector<2048x128xi32>
    %get3A_568 = arith.constant 5120 : index
    %get3A_569 = arith.constant 0 : index
    %get3A_570 = vector.load %arg1[%get3A_568, %get3A_569] : memref<8192x256xbf16, #tpu.memory_space<vmem>>, vector<1024x256xbf16>
    %dot_general3A_571 = arith.constant dense<0.000000e+00> : vector<2048x1024xf32>
    %dot_general3A_572 = tpu.matmul %get3A_1, %get3A_570, %dot_general3A_571 {dimension_numbers = #tpu.dot_dimension_numbers<[1], [1], [0], [0], [0, 0, 1, 0], [], []>, transpose_lhs_hint = false} : vector<2048x256xbf16>, vector<1024x256xbf16>, vector<2048x1024xf32> -> vector<2048x1024xf32>
    %slice3A_573 = vector.extract_strided_slice %dot_general3A_572 {offsets = [0, 0], sizes = [2048, 128], strides = [1, 1]} : vector<2048x1024xf32> to vector<2048x128xf32>
    %sub3A_574 = vector.broadcast %get3A_4 : vector<2048x1xf32> to vector<2048x128xf32>
    %sub3A_575 = arith.subf %sub3A_574, %slice3A_573 : vector<2048x128xf32>
    %get3A_576 = arith.constant 5120 : index
    %get3A_577 = vector.load %arg2[%get3A_576] : memref<8192xf32, #tpu.memory_space<vmem>>, vector<128xf32>
    %broadcast_in_dim3A_578 = vector.shape_cast %get3A_577 : vector<128xf32> to vector<1x128xf32>
    %add3A_579 = vector.broadcast %broadcast_in_dim3A_578 : vector<1x128xf32> to vector<2048x128xf32>
    %add3A_580 = arith.addf %sub3A_575, %add3A_579 : vector<2048x128xf32>
    %slice3A_581 = vector.extract_strided_slice %dot_general3A_572 {offsets = [0, 128], sizes = [2048, 128], strides = [1, 1]} : vector<2048x1024xf32> to vector<2048x128xf32>
    %sub3A_582 = vector.broadcast %get3A_4 : vector<2048x1xf32> to vector<2048x128xf32>
    %sub3A_583 = arith.subf %sub3A_582, %slice3A_581 : vector<2048x128xf32>
    %get3A_584 = arith.constant 5248 : index
    %get3A_585 = vector.load %arg2[%get3A_584] : memref<8192xf32, #tpu.memory_space<vmem>>, vector<128xf32>
    %broadcast_in_dim3A_586 = vector.shape_cast %get3A_585 : vector<128xf32> to vector<1x128xf32>
    %add3A_587 = vector.broadcast %broadcast_in_dim3A_586 : vector<1x128xf32> to vector<2048x128xf32>
    %add3A_588 = arith.addf %sub3A_583, %add3A_587 : vector<2048x128xf32>
    %slice3A_589 = vector.extract_strided_slice %dot_general3A_572 {offsets = [0, 256], sizes = [2048, 128], strides = [1, 1]} : vector<2048x1024xf32> to vector<2048x128xf32>
    %sub3A_590 = vector.broadcast %get3A_4 : vector<2048x1xf32> to vector<2048x128xf32>
    %sub3A_591 = arith.subf %sub3A_590, %slice3A_589 : vector<2048x128xf32>
    %get3A_592 = arith.constant 5376 : index
    %get3A_593 = vector.load %arg2[%get3A_592] : memref<8192xf32, #tpu.memory_space<vmem>>, vector<128xf32>
    %broadcast_in_dim3A_594 = vector.shape_cast %get3A_593 : vector<128xf32> to vector<1x128xf32>
    %add3A_595 = vector.broadcast %broadcast_in_dim3A_594 : vector<1x128xf32> to vector<2048x128xf32>
    %add3A_596 = arith.addf %sub3A_591, %add3A_595 : vector<2048x128xf32>
    %slice3A_597 = vector.extract_strided_slice %dot_general3A_572 {offsets = [0, 384], sizes = [2048, 128], strides = [1, 1]} : vector<2048x1024xf32> to vector<2048x128xf32>
    %sub3A_598 = vector.broadcast %get3A_4 : vector<2048x1xf32> to vector<2048x128xf32>
    %sub3A_599 = arith.subf %sub3A_598, %slice3A_597 : vector<2048x128xf32>
    %get3A_600 = arith.constant 5504 : index
    %get3A_601 = vector.load %arg2[%get3A_600] : memref<8192xf32, #tpu.memory_space<vmem>>, vector<128xf32>
    %broadcast_in_dim3A_602 = vector.shape_cast %get3A_601 : vector<128xf32> to vector<1x128xf32>
    %add3A_603 = vector.broadcast %broadcast_in_dim3A_602 : vector<1x128xf32> to vector<2048x128xf32>
    %add3A_604 = arith.addf %sub3A_599, %add3A_603 : vector<2048x128xf32>
    %slice3A_605 = vector.extract_strided_slice %dot_general3A_572 {offsets = [0, 512], sizes = [2048, 128], strides = [1, 1]} : vector<2048x1024xf32> to vector<2048x128xf32>
    %sub3A_606 = vector.broadcast %get3A_4 : vector<2048x1xf32> to vector<2048x128xf32>
    %sub3A_607 = arith.subf %sub3A_606, %slice3A_605 : vector<2048x128xf32>
    %get3A_608 = arith.constant 5632 : index
    %get3A_609 = vector.load %arg2[%get3A_608] : memref<8192xf32, #tpu.memory_space<vmem>>, vector<128xf32>
    %broadcast_in_dim3A_610 = vector.shape_cast %get3A_609 : vector<128xf32> to vector<1x128xf32>
    %add3A_611 = vector.broadcast %broadcast_in_dim3A_610 : vector<1x128xf32> to vector<2048x128xf32>
    %add3A_612 = arith.addf %sub3A_607, %add3A_611 : vector<2048x128xf32>
    %slice3A_613 = vector.extract_strided_slice %dot_general3A_572 {offsets = [0, 640], sizes = [2048, 128], strides = [1, 1]} : vector<2048x1024xf32> to vector<2048x128xf32>
    %sub3A_614 = vector.broadcast %get3A_4 : vector<2048x1xf32> to vector<2048x128xf32>
    %sub3A_615 = arith.subf %sub3A_614, %slice3A_613 : vector<2048x128xf32>
    %get3A_616 = arith.constant 5760 : index
    %get3A_617 = vector.load %arg2[%get3A_616] : memref<8192xf32, #tpu.memory_space<vmem>>, vector<128xf32>
    %broadcast_in_dim3A_618 = vector.shape_cast %get3A_617 : vector<128xf32> to vector<1x128xf32>
    %add3A_619 = vector.broadcast %broadcast_in_dim3A_618 : vector<1x128xf32> to vector<2048x128xf32>
    %add3A_620 = arith.addf %sub3A_615, %add3A_619 : vector<2048x128xf32>
    %slice3A_621 = vector.extract_strided_slice %dot_general3A_572 {offsets = [0, 768], sizes = [2048, 128], strides = [1, 1]} : vector<2048x1024xf32> to vector<2048x128xf32>
    %sub3A_622 = vector.broadcast %get3A_4 : vector<2048x1xf32> to vector<2048x128xf32>
    %sub3A_623 = arith.subf %sub3A_622, %slice3A_621 : vector<2048x128xf32>
    %get3A_624 = arith.constant 5888 : index
    %get3A_625 = vector.load %arg2[%get3A_624] : memref<8192xf32, #tpu.memory_space<vmem>>, vector<128xf32>
    %broadcast_in_dim3A_626 = vector.shape_cast %get3A_625 : vector<128xf32> to vector<1x128xf32>
    %add3A_627 = vector.broadcast %broadcast_in_dim3A_626 : vector<1x128xf32> to vector<2048x128xf32>
    %add3A_628 = arith.addf %sub3A_623, %add3A_627 : vector<2048x128xf32>
    %slice3A_629 = vector.extract_strided_slice %dot_general3A_572 {offsets = [0, 896], sizes = [2048, 128], strides = [1, 1]} : vector<2048x1024xf32> to vector<2048x128xf32>
    %sub3A_630 = vector.broadcast %get3A_4 : vector<2048x1xf32> to vector<2048x128xf32>
    %sub3A_631 = arith.subf %sub3A_630, %slice3A_629 : vector<2048x128xf32>
    %get3A_632 = arith.constant 6016 : index
    %get3A_633 = vector.load %arg2[%get3A_632] : memref<8192xf32, #tpu.memory_space<vmem>>, vector<128xf32>
    %broadcast_in_dim3A_634 = vector.shape_cast %get3A_633 : vector<128xf32> to vector<1x128xf32>
    %add3A_635 = vector.broadcast %broadcast_in_dim3A_634 : vector<1x128xf32> to vector<2048x128xf32>
    %add3A_636 = arith.addf %sub3A_631, %add3A_635 : vector<2048x128xf32>
    %lt3A_637 = arith.constant 96 : i32
    %lt3A_638 = vector.broadcast %lt3A_637 : i32 to vector<2048x128xi32>
    %lt3A_639 = arith.cmpi slt, %iota3A, %lt3A_638 : vector<2048x128xi32>
    %jit3A_640 = arith.constant 0x7F800000 : f32
    %broadcast_in_dim3A_641 = vector.broadcast %jit3A_640 : f32 to vector<2048x128xf32>
    %select_n3A_642 = arith.select %lt3A_639, %add3A_596, %broadcast_in_dim3A_641 : vector<2048x128xi1>, vector<2048x128xf32>
    %jit3A_643 = arith.constant 0x7F800000 : f32
    %broadcast_in_dim3A_644 = vector.broadcast %jit3A_643 : f32 to vector<2048x128xf32>
    %select_n3A_645 = arith.select %lt3A_639, %broadcast_in_dim3A_644, %add3A_596 : vector<2048x128xi1>, vector<2048x128xf32>
    %broadcast_in_dim3A_646 = arith.constant 40 : i32
    %broadcast_in_dim3A_647 = vector.broadcast %broadcast_in_dim3A_646 : i32 to vector<2048x128xi32>
    %lt3A_648 = arith.cmpf olt, %add3A_588, %add3A_580 : vector<2048x128xf32>
    %select_n3A_649 = arith.select %lt3A_648, %add3A_588, %add3A_580 : vector<2048x128xi1>, vector<2048x128xf32>
    %jit3A_650 = arith.constant 41 : i32
    %broadcast_in_dim3A_651 = vector.broadcast %jit3A_650 : i32 to vector<2048x128xi32>
    %select_n3A_652 = arith.select %lt3A_648, %broadcast_in_dim3A_651, %broadcast_in_dim3A_647 : vector<2048x128xi1>, vector<2048x128xi32>
    %lt3A_653 = arith.cmpf olt, %select_n3A_642, %select_n3A_649 : vector<2048x128xf32>
    %select_n3A_654 = arith.select %lt3A_653, %select_n3A_642, %select_n3A_649 : vector<2048x128xi1>, vector<2048x128xf32>
    %jit3A_655 = arith.constant 42 : i32
    %broadcast_in_dim3A_656 = vector.broadcast %jit3A_655 : i32 to vector<2048x128xi32>
    %select_n3A_657 = arith.select %lt3A_653, %broadcast_in_dim3A_656, %select_n3A_652 : vector<2048x128xi1>, vector<2048x128xi32>
    %lt3A_658 = arith.cmpf olt, %select_n3A_654, %select_n3A_566 : vector<2048x128xf32>
    %select_n3A_659 = arith.select %lt3A_658, %select_n3A_654, %select_n3A_566 : vector<2048x128xi1>, vector<2048x128xf32>
    %select_n3A_660 = arith.select %lt3A_658, %select_n3A_657, %select_n3A_567 : vector<2048x128xi1>, vector<2048x128xi32>
    %broadcast_in_dim3A_661 = arith.constant 42 : i32
    %broadcast_in_dim3A_662 = vector.broadcast %broadcast_in_dim3A_661 : i32 to vector<2048x128xi32>
    %lt3A_663 = arith.cmpf olt, %add3A_604, %select_n3A_645 : vector<2048x128xf32>
    %select_n3A_664 = arith.select %lt3A_663, %add3A_604, %select_n3A_645 : vector<2048x128xi1>, vector<2048x128xf32>
    %jit3A_665 = arith.constant 43 : i32
    %broadcast_in_dim3A_666 = vector.broadcast %jit3A_665 : i32 to vector<2048x128xi32>
    %select_n3A_667 = arith.select %lt3A_663, %broadcast_in_dim3A_666, %broadcast_in_dim3A_662 : vector<2048x128xi1>, vector<2048x128xi32>
    %lt3A_668 = arith.cmpf olt, %add3A_612, %select_n3A_664 : vector<2048x128xf32>
    %select_n3A_669 = arith.select %lt3A_668, %add3A_612, %select_n3A_664 : vector<2048x128xi1>, vector<2048x128xf32>
    %jit3A_670 = arith.constant 44 : i32
    %broadcast_in_dim3A_671 = vector.broadcast %jit3A_670 : i32 to vector<2048x128xi32>
    %select_n3A_672 = arith.select %lt3A_668, %broadcast_in_dim3A_671, %select_n3A_667 : vector<2048x128xi1>, vector<2048x128xi32>
    %lt3A_673 = arith.cmpf olt, %add3A_620, %select_n3A_669 : vector<2048x128xf32>
    %select_n3A_674 = arith.select %lt3A_673, %add3A_620, %select_n3A_669 : vector<2048x128xi1>, vector<2048x128xf32>
    %jit3A_675 = arith.constant 45 : i32
    %broadcast_in_dim3A_676 = vector.broadcast %jit3A_675 : i32 to vector<2048x128xi32>
    %select_n3A_677 = arith.select %lt3A_673, %broadcast_in_dim3A_676, %select_n3A_672 : vector<2048x128xi1>, vector<2048x128xi32>
    %lt3A_678 = arith.cmpf olt, %add3A_628, %select_n3A_674 : vector<2048x128xf32>
    %select_n3A_679 = arith.select %lt3A_678, %add3A_628, %select_n3A_674 : vector<2048x128xi1>, vector<2048x128xf32>
    %jit3A_680 = arith.constant 46 : i32
    %broadcast_in_dim3A_681 = vector.broadcast %jit3A_680 : i32 to vector<2048x128xi32>
    %select_n3A_682 = arith.select %lt3A_678, %broadcast_in_dim3A_681, %select_n3A_677 : vector<2048x128xi1>, vector<2048x128xi32>
    %lt3A_683 = arith.cmpf olt, %add3A_636, %select_n3A_679 : vector<2048x128xf32>
    %select_n3A_684 = arith.select %lt3A_683, %add3A_636, %select_n3A_679 : vector<2048x128xi1>, vector<2048x128xf32>
    %jit3A_685 = arith.constant 47 : i32
    %broadcast_in_dim3A_686 = vector.broadcast %jit3A_685 : i32 to vector<2048x128xi32>
    %select_n3A_687 = arith.select %lt3A_683, %broadcast_in_dim3A_686, %select_n3A_682 : vector<2048x128xi1>, vector<2048x128xi32>
    %lt3A_688 = arith.cmpf olt, %select_n3A_684, %broadcast_in_dim3A_13 : vector<2048x128xf32>
    %select_n3A_689 = arith.select %lt3A_688, %select_n3A_684, %broadcast_in_dim3A_13 : vector<2048x128xi1>, vector<2048x128xf32>
    %select_n3A_690 = arith.select %lt3A_688, %select_n3A_687, %broadcast_in_dim3A_15 : vector<2048x128xi1>, vector<2048x128xi32>
    %get3A_691 = arith.constant 6144 : index
    %get3A_692 = arith.constant 0 : index
    %get3A_693 = vector.load %arg1[%get3A_691, %get3A_692] : memref<8192x256xbf16, #tpu.memory_space<vmem>>, vector<1024x256xbf16>
    %dot_general3A_694 = arith.constant dense<0.000000e+00> : vector<2048x1024xf32>
    %dot_general3A_695 = tpu.matmul %get3A_1, %get3A_693, %dot_general3A_694 {dimension_numbers = #tpu.dot_dimension_numbers<[1], [1], [0], [0], [0, 0, 1, 0], [], []>, transpose_lhs_hint = false} : vector<2048x256xbf16>, vector<1024x256xbf16>, vector<2048x1024xf32> -> vector<2048x1024xf32>
    %slice3A_696 = vector.extract_strided_slice %dot_general3A_695 {offsets = [0, 0], sizes = [2048, 128], strides = [1, 1]} : vector<2048x1024xf32> to vector<2048x128xf32>
    %sub3A_697 = vector.broadcast %get3A_4 : vector<2048x1xf32> to vector<2048x128xf32>
    %sub3A_698 = arith.subf %sub3A_697, %slice3A_696 : vector<2048x128xf32>
    %get3A_699 = arith.constant 6144 : index
    %get3A_700 = vector.load %arg2[%get3A_699] : memref<8192xf32, #tpu.memory_space<vmem>>, vector<128xf32>
    %broadcast_in_dim3A_701 = vector.shape_cast %get3A_700 : vector<128xf32> to vector<1x128xf32>
    %add3A_702 = vector.broadcast %broadcast_in_dim3A_701 : vector<1x128xf32> to vector<2048x128xf32>
    %add3A_703 = arith.addf %sub3A_698, %add3A_702 : vector<2048x128xf32>
    %slice3A_704 = vector.extract_strided_slice %dot_general3A_695 {offsets = [0, 128], sizes = [2048, 128], strides = [1, 1]} : vector<2048x1024xf32> to vector<2048x128xf32>
    %sub3A_705 = vector.broadcast %get3A_4 : vector<2048x1xf32> to vector<2048x128xf32>
    %sub3A_706 = arith.subf %sub3A_705, %slice3A_704 : vector<2048x128xf32>
    %get3A_707 = arith.constant 6272 : index
    %get3A_708 = vector.load %arg2[%get3A_707] : memref<8192xf32, #tpu.memory_space<vmem>>, vector<128xf32>
    %broadcast_in_dim3A_709 = vector.shape_cast %get3A_708 : vector<128xf32> to vector<1x128xf32>
    %add3A_710 = vector.broadcast %broadcast_in_dim3A_709 : vector<1x128xf32> to vector<2048x128xf32>
    %add3A_711 = arith.addf %sub3A_706, %add3A_710 : vector<2048x128xf32>
    %slice3A_712 = vector.extract_strided_slice %dot_general3A_695 {offsets = [0, 256], sizes = [2048, 128], strides = [1, 1]} : vector<2048x1024xf32> to vector<2048x128xf32>
    %sub3A_713 = vector.broadcast %get3A_4 : vector<2048x1xf32> to vector<2048x128xf32>
    %sub3A_714 = arith.subf %sub3A_713, %slice3A_712 : vector<2048x128xf32>
    %get3A_715 = arith.constant 6400 : index
    %get3A_716 = vector.load %arg2[%get3A_715] : memref<8192xf32, #tpu.memory_space<vmem>>, vector<128xf32>
    %broadcast_in_dim3A_717 = vector.shape_cast %get3A_716 : vector<128xf32> to vector<1x128xf32>
    %add3A_718 = vector.broadcast %broadcast_in_dim3A_717 : vector<1x128xf32> to vector<2048x128xf32>
    %add3A_719 = arith.addf %sub3A_714, %add3A_718 : vector<2048x128xf32>
    %slice3A_720 = vector.extract_strided_slice %dot_general3A_695 {offsets = [0, 384], sizes = [2048, 128], strides = [1, 1]} : vector<2048x1024xf32> to vector<2048x128xf32>
    %sub3A_721 = vector.broadcast %get3A_4 : vector<2048x1xf32> to vector<2048x128xf32>
    %sub3A_722 = arith.subf %sub3A_721, %slice3A_720 : vector<2048x128xf32>
    %get3A_723 = arith.constant 6528 : index
    %get3A_724 = vector.load %arg2[%get3A_723] : memref<8192xf32, #tpu.memory_space<vmem>>, vector<128xf32>
    %broadcast_in_dim3A_725 = vector.shape_cast %get3A_724 : vector<128xf32> to vector<1x128xf32>
    %add3A_726 = vector.broadcast %broadcast_in_dim3A_725 : vector<1x128xf32> to vector<2048x128xf32>
    %add3A_727 = arith.addf %sub3A_722, %add3A_726 : vector<2048x128xf32>
    %slice3A_728 = vector.extract_strided_slice %dot_general3A_695 {offsets = [0, 512], sizes = [2048, 128], strides = [1, 1]} : vector<2048x1024xf32> to vector<2048x128xf32>
    %sub3A_729 = vector.broadcast %get3A_4 : vector<2048x1xf32> to vector<2048x128xf32>
    %sub3A_730 = arith.subf %sub3A_729, %slice3A_728 : vector<2048x128xf32>
    %get3A_731 = arith.constant 6656 : index
    %get3A_732 = vector.load %arg2[%get3A_731] : memref<8192xf32, #tpu.memory_space<vmem>>, vector<128xf32>
    %broadcast_in_dim3A_733 = vector.shape_cast %get3A_732 : vector<128xf32> to vector<1x128xf32>
    %add3A_734 = vector.broadcast %broadcast_in_dim3A_733 : vector<1x128xf32> to vector<2048x128xf32>
    %add3A_735 = arith.addf %sub3A_730, %add3A_734 : vector<2048x128xf32>
    %slice3A_736 = vector.extract_strided_slice %dot_general3A_695 {offsets = [0, 640], sizes = [2048, 128], strides = [1, 1]} : vector<2048x1024xf32> to vector<2048x128xf32>
    %sub3A_737 = vector.broadcast %get3A_4 : vector<2048x1xf32> to vector<2048x128xf32>
    %sub3A_738 = arith.subf %sub3A_737, %slice3A_736 : vector<2048x128xf32>
    %get3A_739 = arith.constant 6784 : index
    %get3A_740 = vector.load %arg2[%get3A_739] : memref<8192xf32, #tpu.memory_space<vmem>>, vector<128xf32>
    %broadcast_in_dim3A_741 = vector.shape_cast %get3A_740 : vector<128xf32> to vector<1x128xf32>
    %add3A_742 = vector.broadcast %broadcast_in_dim3A_741 : vector<1x128xf32> to vector<2048x128xf32>
    %add3A_743 = arith.addf %sub3A_738, %add3A_742 : vector<2048x128xf32>
    %slice3A_744 = vector.extract_strided_slice %dot_general3A_695 {offsets = [0, 768], sizes = [2048, 128], strides = [1, 1]} : vector<2048x1024xf32> to vector<2048x128xf32>
    %sub3A_745 = vector.broadcast %get3A_4 : vector<2048x1xf32> to vector<2048x128xf32>
    %sub3A_746 = arith.subf %sub3A_745, %slice3A_744 : vector<2048x128xf32>
    %get3A_747 = arith.constant 6912 : index
    %get3A_748 = vector.load %arg2[%get3A_747] : memref<8192xf32, #tpu.memory_space<vmem>>, vector<128xf32>
    %broadcast_in_dim3A_749 = vector.shape_cast %get3A_748 : vector<128xf32> to vector<1x128xf32>
    %add3A_750 = vector.broadcast %broadcast_in_dim3A_749 : vector<1x128xf32> to vector<2048x128xf32>
    %add3A_751 = arith.addf %sub3A_746, %add3A_750 : vector<2048x128xf32>
    %slice3A_752 = vector.extract_strided_slice %dot_general3A_695 {offsets = [0, 896], sizes = [2048, 128], strides = [1, 1]} : vector<2048x1024xf32> to vector<2048x128xf32>
    %sub3A_753 = vector.broadcast %get3A_4 : vector<2048x1xf32> to vector<2048x128xf32>
    %sub3A_754 = arith.subf %sub3A_753, %slice3A_752 : vector<2048x128xf32>
    %get3A_755 = arith.constant 7040 : index
    %get3A_756 = vector.load %arg2[%get3A_755] : memref<8192xf32, #tpu.memory_space<vmem>>, vector<128xf32>
    %broadcast_in_dim3A_757 = vector.shape_cast %get3A_756 : vector<128xf32> to vector<1x128xf32>
    %add3A_758 = vector.broadcast %broadcast_in_dim3A_757 : vector<1x128xf32> to vector<2048x128xf32>
    %add3A_759 = arith.addf %sub3A_754, %add3A_758 : vector<2048x128xf32>
    %broadcast_in_dim3A_760 = arith.constant 48 : i32
    %broadcast_in_dim3A_761 = vector.broadcast %broadcast_in_dim3A_760 : i32 to vector<2048x128xi32>
    %lt3A_762 = arith.cmpf olt, %add3A_711, %add3A_703 : vector<2048x128xf32>
    %select_n3A_763 = arith.select %lt3A_762, %add3A_711, %add3A_703 : vector<2048x128xi1>, vector<2048x128xf32>
    %jit3A_764 = arith.constant 49 : i32
    %broadcast_in_dim3A_765 = vector.broadcast %jit3A_764 : i32 to vector<2048x128xi32>
    %select_n3A_766 = arith.select %lt3A_762, %broadcast_in_dim3A_765, %broadcast_in_dim3A_761 : vector<2048x128xi1>, vector<2048x128xi32>
    %lt3A_767 = arith.cmpf olt, %add3A_719, %select_n3A_763 : vector<2048x128xf32>
    %select_n3A_768 = arith.select %lt3A_767, %add3A_719, %select_n3A_763 : vector<2048x128xi1>, vector<2048x128xf32>
    %jit3A_769 = arith.constant 50 : i32
    %broadcast_in_dim3A_770 = vector.broadcast %jit3A_769 : i32 to vector<2048x128xi32>
    %select_n3A_771 = arith.select %lt3A_767, %broadcast_in_dim3A_770, %select_n3A_766 : vector<2048x128xi1>, vector<2048x128xi32>
    %lt3A_772 = arith.cmpf olt, %add3A_727, %select_n3A_768 : vector<2048x128xf32>
    %select_n3A_773 = arith.select %lt3A_772, %add3A_727, %select_n3A_768 : vector<2048x128xi1>, vector<2048x128xf32>
    %jit3A_774 = arith.constant 51 : i32
    %broadcast_in_dim3A_775 = vector.broadcast %jit3A_774 : i32 to vector<2048x128xi32>
    %select_n3A_776 = arith.select %lt3A_772, %broadcast_in_dim3A_775, %select_n3A_771 : vector<2048x128xi1>, vector<2048x128xi32>
    %lt3A_777 = arith.cmpf olt, %add3A_735, %select_n3A_773 : vector<2048x128xf32>
    %select_n3A_778 = arith.select %lt3A_777, %add3A_735, %select_n3A_773 : vector<2048x128xi1>, vector<2048x128xf32>
    %jit3A_779 = arith.constant 52 : i32
    %broadcast_in_dim3A_780 = vector.broadcast %jit3A_779 : i32 to vector<2048x128xi32>
    %select_n3A_781 = arith.select %lt3A_777, %broadcast_in_dim3A_780, %select_n3A_776 : vector<2048x128xi1>, vector<2048x128xi32>
    %lt3A_782 = arith.cmpf olt, %add3A_743, %select_n3A_778 : vector<2048x128xf32>
    %select_n3A_783 = arith.select %lt3A_782, %add3A_743, %select_n3A_778 : vector<2048x128xi1>, vector<2048x128xf32>
    %jit3A_784 = arith.constant 53 : i32
    %broadcast_in_dim3A_785 = vector.broadcast %jit3A_784 : i32 to vector<2048x128xi32>
    %select_n3A_786 = arith.select %lt3A_782, %broadcast_in_dim3A_785, %select_n3A_781 : vector<2048x128xi1>, vector<2048x128xi32>
    %lt3A_787 = arith.cmpf olt, %add3A_751, %select_n3A_783 : vector<2048x128xf32>
    %select_n3A_788 = arith.select %lt3A_787, %add3A_751, %select_n3A_783 : vector<2048x128xi1>, vector<2048x128xf32>
    %jit3A_789 = arith.constant 54 : i32
    %broadcast_in_dim3A_790 = vector.broadcast %jit3A_789 : i32 to vector<2048x128xi32>
    %select_n3A_791 = arith.select %lt3A_787, %broadcast_in_dim3A_790, %select_n3A_786 : vector<2048x128xi1>, vector<2048x128xi32>
    %lt3A_792 = arith.cmpf olt, %add3A_759, %select_n3A_788 : vector<2048x128xf32>
    %select_n3A_793 = arith.select %lt3A_792, %add3A_759, %select_n3A_788 : vector<2048x128xi1>, vector<2048x128xf32>
    %jit3A_794 = arith.constant 55 : i32
    %broadcast_in_dim3A_795 = vector.broadcast %jit3A_794 : i32 to vector<2048x128xi32>
    %select_n3A_796 = arith.select %lt3A_792, %broadcast_in_dim3A_795, %select_n3A_791 : vector<2048x128xi1>, vector<2048x128xi32>
    %lt3A_797 = arith.cmpf olt, %select_n3A_793, %select_n3A_689 : vector<2048x128xf32>
    %select_n3A_798 = arith.select %lt3A_797, %select_n3A_793, %select_n3A_689 : vector<2048x128xi1>, vector<2048x128xf32>
    %select_n3A_799 = arith.select %lt3A_797, %select_n3A_796, %select_n3A_690 : vector<2048x128xi1>, vector<2048x128xi32>
    %get3A_800 = arith.constant 7168 : index
    %get3A_801 = arith.constant 0 : index
    %get3A_802 = vector.load %arg1[%get3A_800, %get3A_801] : memref<8192x256xbf16, #tpu.memory_space<vmem>>, vector<1024x256xbf16>
    %dot_general3A_803 = arith.constant dense<0.000000e+00> : vector<2048x1024xf32>
    %dot_general3A_804 = tpu.matmul %get3A_1, %get3A_802, %dot_general3A_803 {dimension_numbers = #tpu.dot_dimension_numbers<[1], [1], [0], [0], [0, 0, 1, 0], [], []>, transpose_lhs_hint = false} : vector<2048x256xbf16>, vector<1024x256xbf16>, vector<2048x1024xf32> -> vector<2048x1024xf32>
    %slice3A_805 = vector.extract_strided_slice %dot_general3A_804 {offsets = [0, 0], sizes = [2048, 128], strides = [1, 1]} : vector<2048x1024xf32> to vector<2048x128xf32>
    %sub3A_806 = vector.broadcast %get3A_4 : vector<2048x1xf32> to vector<2048x128xf32>
    %sub3A_807 = arith.subf %sub3A_806, %slice3A_805 : vector<2048x128xf32>
    %get3A_808 = arith.constant 7168 : index
    %get3A_809 = vector.load %arg2[%get3A_808] : memref<8192xf32, #tpu.memory_space<vmem>>, vector<128xf32>
    %broadcast_in_dim3A_810 = vector.shape_cast %get3A_809 : vector<128xf32> to vector<1x128xf32>
    %add3A_811 = vector.broadcast %broadcast_in_dim3A_810 : vector<1x128xf32> to vector<2048x128xf32>
    %add3A_812 = arith.addf %sub3A_807, %add3A_811 : vector<2048x128xf32>
    %slice3A_813 = vector.extract_strided_slice %dot_general3A_804 {offsets = [0, 128], sizes = [2048, 128], strides = [1, 1]} : vector<2048x1024xf32> to vector<2048x128xf32>
    %sub3A_814 = vector.broadcast %get3A_4 : vector<2048x1xf32> to vector<2048x128xf32>
    %sub3A_815 = arith.subf %sub3A_814, %slice3A_813 : vector<2048x128xf32>
    %get3A_816 = arith.constant 7296 : index
    %get3A_817 = vector.load %arg2[%get3A_816] : memref<8192xf32, #tpu.memory_space<vmem>>, vector<128xf32>
    %broadcast_in_dim3A_818 = vector.shape_cast %get3A_817 : vector<128xf32> to vector<1x128xf32>
    %add3A_819 = vector.broadcast %broadcast_in_dim3A_818 : vector<1x128xf32> to vector<2048x128xf32>
    %add3A_820 = arith.addf %sub3A_815, %add3A_819 : vector<2048x128xf32>
    %slice3A_821 = vector.extract_strided_slice %dot_general3A_804 {offsets = [0, 256], sizes = [2048, 128], strides = [1, 1]} : vector<2048x1024xf32> to vector<2048x128xf32>
    %sub3A_822 = vector.broadcast %get3A_4 : vector<2048x1xf32> to vector<2048x128xf32>
    %sub3A_823 = arith.subf %sub3A_822, %slice3A_821 : vector<2048x128xf32>
    %get3A_824 = arith.constant 7424 : index
    %get3A_825 = vector.load %arg2[%get3A_824] : memref<8192xf32, #tpu.memory_space<vmem>>, vector<128xf32>
    %broadcast_in_dim3A_826 = vector.shape_cast %get3A_825 : vector<128xf32> to vector<1x128xf32>
    %add3A_827 = vector.broadcast %broadcast_in_dim3A_826 : vector<1x128xf32> to vector<2048x128xf32>
    %add3A_828 = arith.addf %sub3A_823, %add3A_827 : vector<2048x128xf32>
    %slice3A_829 = vector.extract_strided_slice %dot_general3A_804 {offsets = [0, 384], sizes = [2048, 128], strides = [1, 1]} : vector<2048x1024xf32> to vector<2048x128xf32>
    %sub3A_830 = vector.broadcast %get3A_4 : vector<2048x1xf32> to vector<2048x128xf32>
    %sub3A_831 = arith.subf %sub3A_830, %slice3A_829 : vector<2048x128xf32>
    %get3A_832 = arith.constant 7552 : index
    %get3A_833 = vector.load %arg2[%get3A_832] : memref<8192xf32, #tpu.memory_space<vmem>>, vector<128xf32>
    %broadcast_in_dim3A_834 = vector.shape_cast %get3A_833 : vector<128xf32> to vector<1x128xf32>
    %add3A_835 = vector.broadcast %broadcast_in_dim3A_834 : vector<1x128xf32> to vector<2048x128xf32>
    %add3A_836 = arith.addf %sub3A_831, %add3A_835 : vector<2048x128xf32>
    %slice3A_837 = vector.extract_strided_slice %dot_general3A_804 {offsets = [0, 512], sizes = [2048, 128], strides = [1, 1]} : vector<2048x1024xf32> to vector<2048x128xf32>
    %sub3A_838 = vector.broadcast %get3A_4 : vector<2048x1xf32> to vector<2048x128xf32>
    %sub3A_839 = arith.subf %sub3A_838, %slice3A_837 : vector<2048x128xf32>
    %get3A_840 = arith.constant 7680 : index
    %get3A_841 = vector.load %arg2[%get3A_840] : memref<8192xf32, #tpu.memory_space<vmem>>, vector<128xf32>
    %broadcast_in_dim3A_842 = vector.shape_cast %get3A_841 : vector<128xf32> to vector<1x128xf32>
    %add3A_843 = vector.broadcast %broadcast_in_dim3A_842 : vector<1x128xf32> to vector<2048x128xf32>
    %add3A_844 = arith.addf %sub3A_839, %add3A_843 : vector<2048x128xf32>
    %slice3A_845 = vector.extract_strided_slice %dot_general3A_804 {offsets = [0, 640], sizes = [2048, 128], strides = [1, 1]} : vector<2048x1024xf32> to vector<2048x128xf32>
    %sub3A_846 = vector.broadcast %get3A_4 : vector<2048x1xf32> to vector<2048x128xf32>
    %sub3A_847 = arith.subf %sub3A_846, %slice3A_845 : vector<2048x128xf32>
    %get3A_848 = arith.constant 7808 : index
    %get3A_849 = vector.load %arg2[%get3A_848] : memref<8192xf32, #tpu.memory_space<vmem>>, vector<128xf32>
    %broadcast_in_dim3A_850 = vector.shape_cast %get3A_849 : vector<128xf32> to vector<1x128xf32>
    %add3A_851 = vector.broadcast %broadcast_in_dim3A_850 : vector<1x128xf32> to vector<2048x128xf32>
    %add3A_852 = arith.addf %sub3A_847, %add3A_851 : vector<2048x128xf32>
    %slice3A_853 = vector.extract_strided_slice %dot_general3A_804 {offsets = [0, 768], sizes = [2048, 128], strides = [1, 1]} : vector<2048x1024xf32> to vector<2048x128xf32>
    %sub3A_854 = vector.broadcast %get3A_4 : vector<2048x1xf32> to vector<2048x128xf32>
    %sub3A_855 = arith.subf %sub3A_854, %slice3A_853 : vector<2048x128xf32>
    %get3A_856 = arith.constant 7936 : index
    %get3A_857 = vector.load %arg2[%get3A_856] : memref<8192xf32, #tpu.memory_space<vmem>>, vector<128xf32>
    %broadcast_in_dim3A_858 = vector.shape_cast %get3A_857 : vector<128xf32> to vector<1x128xf32>
    %add3A_859 = vector.broadcast %broadcast_in_dim3A_858 : vector<1x128xf32> to vector<2048x128xf32>
    %add3A_860 = arith.addf %sub3A_855, %add3A_859 : vector<2048x128xf32>
    %slice3A_861 = vector.extract_strided_slice %dot_general3A_804 {offsets = [0, 896], sizes = [2048, 128], strides = [1, 1]} : vector<2048x1024xf32> to vector<2048x128xf32>
    %sub3A_862 = vector.broadcast %get3A_4 : vector<2048x1xf32> to vector<2048x128xf32>
    %sub3A_863 = arith.subf %sub3A_862, %slice3A_861 : vector<2048x128xf32>
    %get3A_864 = arith.constant 8064 : index
    %get3A_865 = vector.load %arg2[%get3A_864] : memref<8192xf32, #tpu.memory_space<vmem>>, vector<128xf32>
    %broadcast_in_dim3A_866 = vector.shape_cast %get3A_865 : vector<128xf32> to vector<1x128xf32>
    %add3A_867 = vector.broadcast %broadcast_in_dim3A_866 : vector<1x128xf32> to vector<2048x128xf32>
    %add3A_868 = arith.addf %sub3A_863, %add3A_867 : vector<2048x128xf32>
    %broadcast_in_dim3A_869 = arith.constant 56 : i32
    %broadcast_in_dim3A_870 = vector.broadcast %broadcast_in_dim3A_869 : i32 to vector<2048x128xi32>
    %lt3A_871 = arith.cmpf olt, %add3A_820, %add3A_812 : vector<2048x128xf32>
    %select_n3A_872 = arith.select %lt3A_871, %add3A_820, %add3A_812 : vector<2048x128xi1>, vector<2048x128xf32>
    %jit3A_873 = arith.constant 57 : i32
    %broadcast_in_dim3A_874 = vector.broadcast %jit3A_873 : i32 to vector<2048x128xi32>
    %select_n3A_875 = arith.select %lt3A_871, %broadcast_in_dim3A_874, %broadcast_in_dim3A_870 : vector<2048x128xi1>, vector<2048x128xi32>
    %lt3A_876 = arith.cmpf olt, %add3A_828, %select_n3A_872 : vector<2048x128xf32>
    %select_n3A_877 = arith.select %lt3A_876, %add3A_828, %select_n3A_872 : vector<2048x128xi1>, vector<2048x128xf32>
    %jit3A_878 = arith.constant 58 : i32
    %broadcast_in_dim3A_879 = vector.broadcast %jit3A_878 : i32 to vector<2048x128xi32>
    %select_n3A_880 = arith.select %lt3A_876, %broadcast_in_dim3A_879, %select_n3A_875 : vector<2048x128xi1>, vector<2048x128xi32>
    %lt3A_881 = arith.cmpf olt, %add3A_836, %select_n3A_877 : vector<2048x128xf32>
    %select_n3A_882 = arith.select %lt3A_881, %add3A_836, %select_n3A_877 : vector<2048x128xi1>, vector<2048x128xf32>
    %jit3A_883 = arith.constant 59 : i32
    %broadcast_in_dim3A_884 = vector.broadcast %jit3A_883 : i32 to vector<2048x128xi32>
    %select_n3A_885 = arith.select %lt3A_881, %broadcast_in_dim3A_884, %select_n3A_880 : vector<2048x128xi1>, vector<2048x128xi32>
    %lt3A_886 = arith.cmpf olt, %add3A_844, %select_n3A_882 : vector<2048x128xf32>
    %select_n3A_887 = arith.select %lt3A_886, %add3A_844, %select_n3A_882 : vector<2048x128xi1>, vector<2048x128xf32>
    %jit3A_888 = arith.constant 60 : i32
    %broadcast_in_dim3A_889 = vector.broadcast %jit3A_888 : i32 to vector<2048x128xi32>
    %select_n3A_890 = arith.select %lt3A_886, %broadcast_in_dim3A_889, %select_n3A_885 : vector<2048x128xi1>, vector<2048x128xi32>
    %lt3A_891 = arith.cmpf olt, %add3A_852, %select_n3A_887 : vector<2048x128xf32>
    %select_n3A_892 = arith.select %lt3A_891, %add3A_852, %select_n3A_887 : vector<2048x128xi1>, vector<2048x128xf32>
    %jit3A_893 = arith.constant 61 : i32
    %broadcast_in_dim3A_894 = vector.broadcast %jit3A_893 : i32 to vector<2048x128xi32>
    %select_n3A_895 = arith.select %lt3A_891, %broadcast_in_dim3A_894, %select_n3A_890 : vector<2048x128xi1>, vector<2048x128xi32>
    %lt3A_896 = arith.cmpf olt, %add3A_860, %select_n3A_892 : vector<2048x128xf32>
    %select_n3A_897 = arith.select %lt3A_896, %add3A_860, %select_n3A_892 : vector<2048x128xi1>, vector<2048x128xf32>
    %jit3A_898 = arith.constant 62 : i32
    %broadcast_in_dim3A_899 = vector.broadcast %jit3A_898 : i32 to vector<2048x128xi32>
    %select_n3A_900 = arith.select %lt3A_896, %broadcast_in_dim3A_899, %select_n3A_895 : vector<2048x128xi1>, vector<2048x128xi32>
    %lt3A_901 = arith.cmpf olt, %add3A_868, %select_n3A_897 : vector<2048x128xf32>
    %select_n3A_902 = arith.select %lt3A_901, %add3A_868, %select_n3A_897 : vector<2048x128xi1>, vector<2048x128xf32>
    %jit3A_903 = arith.constant 63 : i32
    %broadcast_in_dim3A_904 = vector.broadcast %jit3A_903 : i32 to vector<2048x128xi32>
    %select_n3A_905 = arith.select %lt3A_901, %broadcast_in_dim3A_904, %select_n3A_900 : vector<2048x128xi1>, vector<2048x128xi32>
    %lt3A_906 = arith.cmpf olt, %select_n3A_902, %select_n3A_798 : vector<2048x128xf32>
    %select_n3A_907 = arith.select %lt3A_906, %select_n3A_902, %select_n3A_798 : vector<2048x128xi1>, vector<2048x128xf32>
    %select_n3A_908 = arith.select %lt3A_906, %select_n3A_905, %select_n3A_799 : vector<2048x128xi1>, vector<2048x128xi32>
    %mul3A = arith.constant 128 : i32
    %mul3A_909 = vector.broadcast %mul3A : i32 to vector<2048x128xi32>
    %mul3A_910 = arith.muli %select_n3A_334, %mul3A_909 : vector<2048x128xi32>
    %add3A_911 = arith.addi %mul3A_910, %iota3A : vector<2048x128xi32>
    %reduce_min3A = arith.constant dense<0x7F800000> : vector<2048xf32>
    %reduce_min3A_912 = vector.multi_reduction <minimumf>, %select_n3A_333, %reduce_min3A [1] : vector<2048x128xf32> to vector<2048xf32>
    %broadcast_in_dim3A_913 = vector.shape_cast %reduce_min3A_912 : vector<2048xf32> to vector<2048x1xf32>
    %eq3A = vector.broadcast %broadcast_in_dim3A_913 : vector<2048x1xf32> to vector<2048x128xf32>
    %eq3A_914 = arith.cmpf oeq, %select_n3A_333, %eq3A : vector<2048x128xf32>
    %jit3A_915 = arith.constant 8192 : i32
    %broadcast_in_dim3A_916 = vector.broadcast %jit3A_915 : i32 to vector<2048x128xi32>
    %select_n3A_917 = arith.select %eq3A_914, %add3A_911, %broadcast_in_dim3A_916 : vector<2048x128xi1>, vector<2048x128xi32>
    %reduce_min3A_918 = arith.constant dense<2147483647> : vector<2048xi32>
    %reduce_min3A_919 = vector.multi_reduction <minsi>, %select_n3A_917, %reduce_min3A_918 [1] : vector<2048x128xi32> to vector<2048xi32>
    %broadcast_in_dim3A_920 = vector.shape_cast %reduce_min3A_919 : vector<2048xi32> to vector<2048x1xi32>
    %mul3A_921 = arith.constant 128 : i32
    %mul3A_922 = vector.broadcast %mul3A_921 : i32 to vector<2048x128xi32>
    %mul3A_923 = arith.muli %select_n3A_660, %mul3A_922 : vector<2048x128xi32>
    %add3A_924 = arith.addi %mul3A_923, %iota3A : vector<2048x128xi32>
    %reduce_min3A_925 = arith.constant dense<0x7F800000> : vector<2048xf32>
    %reduce_min3A_926 = vector.multi_reduction <minimumf>, %select_n3A_659, %reduce_min3A_925 [1] : vector<2048x128xf32> to vector<2048xf32>
    %broadcast_in_dim3A_927 = vector.shape_cast %reduce_min3A_926 : vector<2048xf32> to vector<2048x1xf32>
    %eq3A_928 = vector.broadcast %broadcast_in_dim3A_927 : vector<2048x1xf32> to vector<2048x128xf32>
    %eq3A_929 = arith.cmpf oeq, %select_n3A_659, %eq3A_928 : vector<2048x128xf32>
    %jit3A_930 = arith.constant 8192 : i32
    %broadcast_in_dim3A_931 = vector.broadcast %jit3A_930 : i32 to vector<2048x128xi32>
    %select_n3A_932 = arith.select %eq3A_929, %add3A_924, %broadcast_in_dim3A_931 : vector<2048x128xi1>, vector<2048x128xi32>
    %reduce_min3A_933 = arith.constant dense<2147483647> : vector<2048xi32>
    %reduce_min3A_934 = vector.multi_reduction <minsi>, %select_n3A_932, %reduce_min3A_933 [1] : vector<2048x128xi32> to vector<2048xi32>
    %broadcast_in_dim3A_935 = vector.shape_cast %reduce_min3A_934 : vector<2048xi32> to vector<2048x1xi32>
    %mul3A_936 = arith.constant 128 : i32
    %mul3A_937 = vector.broadcast %mul3A_936 : i32 to vector<2048x128xi32>
    %mul3A_938 = arith.muli %select_n3A_908, %mul3A_937 : vector<2048x128xi32>
    %add3A_939 = arith.addi %mul3A_938, %iota3A : vector<2048x128xi32>
    %reduce_min3A_940 = arith.constant dense<0x7F800000> : vector<2048xf32>
    %reduce_min3A_941 = vector.multi_reduction <minimumf>, %select_n3A_907, %reduce_min3A_940 [1] : vector<2048x128xf32> to vector<2048xf32>
    %broadcast_in_dim3A_942 = vector.shape_cast %reduce_min3A_941 : vector<2048xf32> to vector<2048x1xf32>
    %eq3A_943 = vector.broadcast %broadcast_in_dim3A_942 : vector<2048x1xf32> to vector<2048x128xf32>
    %eq3A_944 = arith.cmpf oeq, %select_n3A_907, %eq3A_943 : vector<2048x128xf32>
    %jit3A_945 = arith.constant 8192 : i32
    %broadcast_in_dim3A_946 = vector.broadcast %jit3A_945 : i32 to vector<2048x128xi32>
    %select_n3A_947 = arith.select %eq3A_944, %add3A_939, %broadcast_in_dim3A_946 : vector<2048x128xi1>, vector<2048x128xi32>
    %reduce_min3A_948 = arith.constant dense<2147483647> : vector<2048xi32>
    %reduce_min3A_949 = vector.multi_reduction <minsi>, %select_n3A_947, %reduce_min3A_948 [1] : vector<2048x128xi32> to vector<2048xi32>
    %broadcast_in_dim3A_950 = vector.shape_cast %reduce_min3A_949 : vector<2048xi32> to vector<2048x1xi32>
    %bitcast_convert_type3A = tpu.bitcast %broadcast_in_dim3A_913 : vector<2048x1xf32> -> vector<2048x1xi32>
    %add3A_951 = arith.constant 32767 : i32
    %add3A_952 = vector.broadcast %add3A_951 : i32 to vector<2048x1xi32>
    %add3A_953 = arith.addi %bitcast_convert_type3A, %add3A_952 : vector<2048x1xi32>
    %shift_right_logical3A = arith.constant 16 : i32
    %shift_right_logical3A_954 = vector.broadcast %shift_right_logical3A : i32 to vector<2048x1xi32>
    %shift_right_logical3A_955 = arith.shrui %bitcast_convert_type3A, %shift_right_logical3A_954 : vector<2048x1xi32>
    %and3A = arith.constant 1 : i32
    %and3A_956 = vector.broadcast %and3A : i32 to vector<2048x1xi32>
    %and3A_957 = arith.andi %shift_right_logical3A_955, %and3A_956 : vector<2048x1xi32>
    %add3A_958 = arith.addi %add3A_953, %and3A_957 : vector<2048x1xi32>
    %and3A_959 = arith.constant -65536 : i32
    %and3A_960 = vector.broadcast %and3A_959 : i32 to vector<2048x1xi32>
    %and3A_961 = arith.andi %add3A_958, %and3A_960 : vector<2048x1xi32>
    %bitcast_convert_type3A_962 = tpu.bitcast %and3A_961 : vector<2048x1xi32> -> vector<2048x1xf32>
    %lt3A_963 = arith.cmpf olt, %broadcast_in_dim3A_927, %bitcast_convert_type3A_962 : vector<2048x1xf32>
    %select_n3A_964 = arith.select %lt3A_963, %broadcast_in_dim3A_927, %bitcast_convert_type3A_962 : vector<2048x1xi1>, vector<2048x1xf32>
    %bitcast_convert_type3A_965 = tpu.bitcast %select_n3A_964 : vector<2048x1xf32> -> vector<2048x1xi32>
    %add3A_966 = arith.constant 32767 : i32
    %add3A_967 = vector.broadcast %add3A_966 : i32 to vector<2048x1xi32>
    %add3A_968 = arith.addi %bitcast_convert_type3A_965, %add3A_967 : vector<2048x1xi32>
    %shift_right_logical3A_969 = arith.constant 16 : i32
    %shift_right_logical3A_970 = vector.broadcast %shift_right_logical3A_969 : i32 to vector<2048x1xi32>
    %shift_right_logical3A_971 = arith.shrui %bitcast_convert_type3A_965, %shift_right_logical3A_970 : vector<2048x1xi32>
    %and3A_972 = arith.constant 1 : i32
    %and3A_973 = vector.broadcast %and3A_972 : i32 to vector<2048x1xi32>
    %and3A_974 = arith.andi %shift_right_logical3A_971, %and3A_973 : vector<2048x1xi32>
    %add3A_975 = arith.addi %add3A_968, %and3A_974 : vector<2048x1xi32>
    %and3A_976 = arith.constant -65536 : i32
    %and3A_977 = vector.broadcast %and3A_976 : i32 to vector<2048x1xi32>
    %and3A_978 = arith.andi %add3A_975, %and3A_977 : vector<2048x1xi32>
    %bitcast_convert_type3A_979 = tpu.bitcast %and3A_978 : vector<2048x1xi32> -> vector<2048x1xf32>
    %select_n3A_980 = arith.select %lt3A_963, %broadcast_in_dim3A_935, %broadcast_in_dim3A_920 : vector<2048x1xi1>, vector<2048x1xi32>
    %lt3A_981 = arith.cmpf olt, %broadcast_in_dim3A_942, %bitcast_convert_type3A_979 : vector<2048x1xf32>
    %select_n3A_982 = arith.select %lt3A_981, %broadcast_in_dim3A_950, %select_n3A_980 : vector<2048x1xi1>, vector<2048x1xi32>
    %squeeze3A = vector.shape_cast %select_n3A_982 : vector<2048x1xi32> to vector<2048xi32>
    %swap3A = arith.constant 0 : index
    %swap3A_983 = vector.load %arg5[%swap3A] : memref<2048xi32, #tpu.memory_space<vmem>>, vector<2048xi32>
    tpu.vector_store %arg5[%swap3A], %squeeze3A {strides = array<i32>} : memref<2048xi32, #tpu.memory_space<vmem>>, vector<2048xi32>,
    return
  }
  func.func @transform_0(%arg0: i32) -> (i32, i32) {
    %c0_i32 = arith.constant 0 : i32
    %c0_i32_0 = arith.constant 0 : i32
    %c0_i32_1 = arith.constant 0 : i32
    return %c0_i32, %c0_i32_0 : i32, i32
  }
  func.func @transform_1(%arg0: i32) -> i32 {
    %c0_i32 = arith.constant 0 : i32
    %c0_i32_0 = arith.constant 0 : i32
    return %c0_i32 : i32
  }
  func.func @transform_2(%arg0: i32) -> (i32, i32) {
    %c0_i32 = arith.constant 0 : i32
    %c0_i32_0 = arith.constant 0 : i32
    return %arg0, %c0_i32 : i32, i32
  }
  func.func @transform_3(%arg0: i32) -> (i32, i32) {
    %c0_i32 = arith.constant 0 : i32
    %c0_i32_0 = arith.constant 0 : i32
    return %arg0, %c0_i32 : i32, i32
  }
  func.func @transform_4(%arg0: i32) -> i32 {
    %c0_i32 = arith.constant 0 : i32
    return %arg0 : i32
  }
}

</mosaic_0001>

<sc_bundles>
// kernel: kernel.4.cloned.1.call-start
scs
__scs_entry_jumppad:
0x0: {  	(pc) =	sbr.rel $0x88, $3  }
0x1: {  	(tag) =	ssettag $0x0;
	lr =	simm.s32 $0x1  }
0x2: {  	[smem:$0x3F9F] =	sst lr;
	_ =	strace $0xD0000000  }
0x3: {  	_ = 	snop  }
0x4: {  	_ = 	snop  }
0x5: {  	_ = 	snop  }
0x6: {  	_ = 	snop  }
0x7: {  	_ = 	snop  }
__scs_overlays_trampoline_lowered:
0x8: {  	[smem:$0x3FAE] =	sst s0  }
0x9: {  	[smem:$0x3FAF] =	sst s1  }
0xa: {  	[smem:$0x3FB0] =	sst s2  }
0xb: {  	[smem:$0x3FB1] =	sst s3  }
0xc: {  	[smem:$0x3FB2] =	sst s4  }
0xd: {  	[smem:$0x3FB3] =	sst s5  }
0xe: {  	[smem:$0x3FB4] =	sst s6  }
0xf: {  	[smem:$0x3FB5] =	sst s7  }
0x10: {  	[smem:$0x3FB6] =	sst s8  }
0x11: {  	[smem:$0x3FB7] =	sst s9;
	s0 =	simm.s32 @!p0 $0x0  }
0x12: {  	s1 =	sld [smem:$0x3F9D];
	s0 =	simm.s32 @p0 $0x1  }
0x13: {  	[smem:$0x3FB8] =	sst s0;
	s0 =	simm.s32 @!p1 $0x0  }
0x14: {  	s2 =	sld [smem:$0x3F9C];
	s0 =	simm.s32 @p1 $0x1  }
0x15: {  	[smem:$0x3FB9] =	sst s0;
	s0 =	simm.s32 @!p2 $0x0  }
0x16: {  	s3 =	sld [smem:$0x3FDB];
	s0 =	simm.s32 @p2 $0x1  }
0x17: {  	s4 =	simm.s32 $0x1BF5;
	[smem:$0x3FBB] =	sst s0  }
0x18: {  	s0 =	sld [smem:$0x3F9E];
	_ =	swait.ge [sflag:s4], $0x0  }
0x19: {  	s7 =	sld [smem:$0x3F9F]  }
0x1a: {  	s8 =	sadd.s32 $0xFFFFE003, lr  }
0x1b: {  	s9 =	sadd.s32 $0xFFFFFEF7, lr;
	s5 =	simm.s32 $0xFFFFFFFF;
	p2 =	slt.u32 s8, $0xFFFFF086  }
0x1c: {  	p1 =	slt.u32 s9, $0xF7A;
	s5 =	simm.s32 @!p2 $0x0  }
0x1d: {  	s5 =	simm.s32 @p1 $0x1;
	p0 =	seq.s32 s7, s2  }
0x1e: {  	s7 =	smul.u32 @!p0 $0xF7A, s2;
	p2 =	seq.s32 @!p0 s5, $0x0  }
0x1f: {  	s9 =	smul.u32 $0xF7A, s1;
	s8 =	simm.s32 @!p0 $0x1BF5;
	p2 =	por !p2, p0  }
0x20: {  	[sflag:s8] =	ssyncset.s32 @!p0 $0xFFFFF086;
	s6 =	sadd.s32 @!p0 s3, s7;
	s7 =	simm.s32 @!p0 $0x108  }
0x21: {  	s3 =	sadd.s32 s3, s9;
	s6 =	sadd.s32 @!p0 $0x88, s6;
	s7 =	simm.s32 @p2 $0x1082  }
0x22: {  	[simem:s7], [sflag:s8] =	dma.local @!p0 [hbm:s6], $0xF7A  }
0x23: {  	s9 =	sor.u32 $0xD0000000, s2;
	s6 =	simm.s32 $0x108;
	_ =	swait.ge @!p0 [sflag:s8], $0x0  }
0x24: {  	s3 =	sadd.s32 $0x88, s3;
	s6 =	simm.s32 @!p1 $0x1082;
	[sflag:s4] =	ssyncset.s32 $0xFFFFF086  }
0x25: {  	[simem:s6], [sflag:s4] =	dma.local [hbm:s3], $0xF7A  }
0x26: {  	[smem:$0x3F9F] =	sst s1;
	(tag) =	ssettag s2;
	_ =	strace s9  }
0x27: {  	s1 =	sld [smem:$0x3FAF]  }
0x28: {  	s2 =	sld [smem:$0x3FB0]  }
0x29: {  	s4 =	sld [smem:$0x3FB2]  }
0x2a: {  	p0 =	seq.s32 s5, $0x0;
	s5 =	sld [smem:$0x3FB3]  }
0x2b: {  	s6 =	sld [smem:$0x3FB4]  }
0x2c: {  	s7 =	sld [smem:$0x3FB5]  }
0x2d: {  	s3 =	simm.s32 $0x108;
	s8 =	sld [smem:$0x3FB6]  }
0x2e: {  	s3 =	simm.s32 @!p0 $0x1082;
	s9 =	sld [smem:$0x3FB7]  }
0x2f: {  	lr =	sadd.s32 s0, s3;
	s0 =	sld [smem:$0x3FAE]  }
0x30: {  	s3 =	sld [smem:$0x3FB1]  }
0x31: {  	[smem:$0x3FBA] =	sst s10  }
0x32: {  	s10 =	sld [smem:$0x3FB8];
	_ =	sdelay $0x3  }
0x33: {  	p0 =	seq.s32 s10, $0x1;
	s10 =	sld [smem:$0x3FBA];
	_ =	sdelay $0x3  }
0x34: {  	[smem:$0x3FBA] =	sst s10  }
0x35: {  	s10 =	sld [smem:$0x3FB9];
	_ =	sdelay $0x3  }
0x36: {  	p1 =	seq.s32 s10, $0x1;
	s10 =	sld [smem:$0x3FBA];
	_ =	sdelay $0x3  }
0x37: {  	[smem:$0x3FBA] =	sst s10  }
0x38: {  	s10 =	sld [smem:$0x3FBB]  }
0x39: {  	_ = 	snop;
	(pc) =	sbr.ind lr, $3  }
0x3a: {  	_ = 	snop  }
0x3b: {  	_ = 	snop  }
0x3c: {  	p2 =	seq.s32 s10, $0x1;
	s10 =	sld [smem:$0x3FBA]  }
0x3d: {  	_ =	shalt  }
0x3e: {  	_ =	shalt  }
0x3f: {  	_ =	shalt  }
0x40: {  	_ =	shalt  }
0x41: {  	_ =	shalt  }
0x42: {  	_ =	shalt  }
0x43: {  	_ =	shalt  }
0x44: {  	_ =	shalt  }
0x45: {  	_ =	shalt  }
0x46: {  	_ =	shalt  }
0x47: {  	_ =	shalt  }
0x48: {  	_ =	shalt  }
0x49: {  	_ =	shalt  }
0x4a: {  	_ =	shalt  }
0x4b: {  	_ =	shalt  }
0x4c: {  	_ =	shalt  }
0x4d: {  	_ =	shalt  }
0x4e: {  	_ =	shalt  }
0x4f: {  	_ =	shalt  }
0x50: {  	_ =	shalt  }
0x51: {  	_ =	shalt  }
0x52: {  	_ =	shalt  }
0x53: {  	_ =	shalt  }
0x54: {  	_ =	shalt  }
0x55: {  	_ =	shalt  }
0x56: {  	_ =	shalt  }
0x57: {  	_ =	shalt  }
0x58: {  	_ =	shalt  }
0x59: {  	_ =	shalt  }
0x5a: {  	_ =	shalt  }
0x5b: {  	_ =	shalt  }
0x5c: {  	_ =	shalt  }
0x5d: {  	_ =	shalt  }
0x5e: {  	_ =	shalt  }
0x5f: {  	_ =	shalt  }
0x60: {  	_ =	shalt  }
0x61: {  	_ =	shalt  }
0x62: {  	_ =	shalt  }
0x63: {  	_ =	shalt  }
0x64: {  	_ =	shalt  }
0x65: {  	_ =	shalt  }
0x66: {  	_ =	shalt  }
0x67: {  	_ =	shalt  }
0x68: {  	_ =	shalt  }
0x69: {  	_ =	shalt  }
0x6a: {  	_ =	shalt  }
0x6b: {  	_ =	shalt  }
0x6c: {  	_ =	shalt  }
0x6d: {  	_ =	shalt  }
0x6e: {  	_ =	shalt  }
0x6f: {  	_ =	shalt  }
0x70: {  	_ =	shalt  }
0x71: {  	_ =	shalt  }
0x72: {  	_ =	shalt  }
0x73: {  	_ =	shalt  }
0x74: {  	_ =	shalt  }
0x75: {  	_ =	shalt  }
0x76: {  	_ =	shalt  }
0x77: {  	_ =	shalt  }
0x78: {  	_ =	shalt  }
0x79: {  	_ =	shalt  }
0x7a: {  	_ =	shalt  }
0x7b: {  	_ =	shalt  }
0x7c: {  	_ =	shalt  }
0x7d: {  	_ =	shalt  }
0x7e: {  	_ =	shalt  }
0x7f: {  	_ =	shalt  }
0x80: {  	_ =	shalt  }
0x81: {  	_ =	shalt  }
0x82: {  	_ =	shalt  }
0x83: {  	_ =	shalt  }
0x84: {  	_ =	shalt  }
0x85: {  	_ =	shalt  }
0x86: {  	_ =	shalt  }
0x87: {  	_ =	shalt  }
.Lfunc_end0:
.L_simem_size_0:
called_computation_lowered:
.L_overlay_start_0:
0x88: {  	s2 =	sld [smem:$0x3FD9]  }
0x89: {  	s3 =	sld [smem:$0x3FFE];
	_ =	sdelay $0x1  }
0x8a: {  	s1 =	srdreg.scid  }
0x8b: {  	s0 =	sand.u32 $0x1, s1  }
0x8c: {  	s15 =	sshll.u32 s0, $0xA;
	s2 =	sadd.s32 s3, s2  }
0x8d: {  	s2 =	sadd.s32 s2, s15  }
0x8e: {  	[smem:$0x3FC6] =	sst s2  }
0x8f: {  	_ = 	snop  }
0x90: {  	s2 =	sld [smem:$0x3FD0];
	_ =	sdelay $0x2  }
0x91: {  	s4 =	simm.s32 $0xA;
	s5 =	simm.s32 $0x10;
	s16 =	sld [smem:$0x3FC8]  }
0x92: {  	[smem:s5], [sflag:s4] =	dma.local [hbm:s2], $0x1  }
0x93: {  	_ =	swait.eq [sflag:s4], $0x1  }
0x94: {  	[sflag:s4] =	ssyncset.done $0x0  }
0x95: {  	s17 =	sld [smem:$0x10];
	[sflag:s4] =	ssyncadd.s32 $0xFFFFFFFF  }
0x96: {  	s18 =	sld [smem:$0x11];
	(tm) =	ssettm $0x1  }
0x97: {  	s19 =	sld [smem:$0x3FFB];
	_ =	sdelay $0x3  }
0x98: {  	_ =	strace s19  }
0x99: {  	s5 =	sld [smem:$0x3FFC];
	_ =	sdelay $0x3  }
0x9a: {  	_ =	strace s5  }
0x9b: {  	s5 =	sld [smem:$0x3FFD];
	_ =	sdelay $0x3  }
0x9c: {  	_ =	strace s5  }
0x9d: {  	_ =	strace $0x8FFFFFFF  }
0x9e: {  	s20 =	sld [smem:$0x3FDB];
	_ =	sdelay $0x1  }
0x9f: {  	s6 =	simm.s32 $_scs_section_size  }
0xa0: {  	s7 =	simm.s32 $_size__tile_overlayer_lowered;
	s8 =	simm.s32 $_tile_overlayer_lowered  }
0xa1: {  	s23 =	simm.s32 $0x1BFF;
	s22 =	sshll.u32 s8, $0x1;
	s5 =	sadd.s32 s6, s20  }
0xa2: {  	s9 =	simm.s32 $0x0;
	s21 =	sshll.u32 s7, $0x1;
	s7 =	sadd.s32 s22, s5  }
0xa3: {  	[timem:s9], [sflag:s23] =	dma.local [hbm:s7], s21  }
0xa4: {  	_ =	swait.ge [sflag:s23], s21  }
0xa5: {  	s6 =	ssub.s32 $0x0, s21;
	[sflag:s23] =	ssyncset.done $0x0  }
0xa6: {  	[sflag:s23] =	ssyncadd.s32 s6;
	_ =	sdelay $0x1  }
0xa7: {  	s24 =	simm.s32 $0x1B8B  }
0xa8: {  	_ =	swait.ge [sflag:s24], $0x1  }
0xa9: {  	[sflag:s24] =	ssyncset.done $0x0  }
0xaa: {  	s25 =	simm.s32 $0x1B8E;
	[sflag:s24] =	ssyncadd.s32 $0xFFFFFFFF  }
0xab: {  	s26 =	simm.s32 $execute0_lowered;
	[smem:$0x3FD2] =	sst s25  }
0xac: {  	s6 =	sshll.u32 s26, $0x1;
	_ =	strace $0x80000046;
	[dreg:$0x1] =	wrdreg $0xFFFFFFFF  }
0xad: {  	s28 =	simm.s32 $_size_execute0_lowered;
	s5 =	sadd.s32 s5, s6;
	[dreg:$0x0] =	wrdreg $0x0  }
0xae: {  	s6 =	sshll.u32 s28, $0x1;
	[dreg:$0x2] =	wrdreg s5  }
0xaf: {  	[dreg:$0x3] =	wrdreg s6  }
0xb0: {  	[dreg:$0x4] =	wrdreg $0xC0  }
0xb1: {  	_ =	task [dreg:s9], $0x5FFFF  }
0xb2: {  	[dreg:$0x1] =	wrdreg $0xFFFFFFFF  }
0xb3: {  	[dreg:$0x0] =	wrdreg $0x60  }
0xb4: {  	[dreg:$0x2] =	wrdreg s16  }
0xb5: {  	[dreg:$0x3] =	wrdreg s18  }
0xb6: {  	[dreg:$0x4] =	wrdreg s17  }
0xb7: {  	[dreg:$0x5] =	wrdreg $0x9  }
0xb8: {  	_ =	task.clear_ibuf [dreg:s9], $0x6FFFF;
	_ =	strace $0x90000046  }
0xb9: {  	s29 =	simm.s32 $0x9;
	_ =	strace $0x8000004F  }
0xba: {  	_ =	swait.ge [sflag:s29], $0x1  }
0xbb: {  	[sflag:s29] =	ssyncadd.s32 $0xFFFFFFFF  }
0xbc: {  	_ =	strace $0x9000004F  }
0xbd: {  	_ =	sfence  }
0xbe: {  	s30 =	sld [smem:$0x0];
	_ =	sdelay $0x2  }
0xbf: {  	s31 =	sshll.u32 s1, $0xD;
	s1 =	sshrl.u32 s1, $0x2  }
0xc0: {  	s3 =	sand.u32 $0x4000, s31;
	s1 =	sadd.s32 s1, s30  }
0xc1: {  	s0 =	sor.u32 s3, s0;
	s1 =	sshll.u32 s1, $0x11  }
0xc2: {  	s0 =	sor.u32 s1, s0  }
0xc3: {  	s0 =	sadd.s32 $0x8F2B, s0  }
0xc4: {  	[sflag:s0] =	ssyncadd.remote.s32 $0x1  }
0xc5: {  	_ =	sfence.sel $0xFFFF  }
0xc6: {  	[dreg:$0x0] =	wrdreg $0xFFFFFFFF;
	(pc) =	sbr.abs _section_cstart, $3  }
0xc7: {  	[dreg:$0x1] =	wrdreg $0xFFFFFFFF  }
0xc8: {  	_ =	task.clear_ibuf [dreg:s9], $0x2FFFF;
	_ =	strace $0x9FFFFFFF  }
0xc9: {  	(tm) =	ssettm $0x7FFFFFFF  }
tec
execute0_lowered:
.L_overlay_start_1:
0x0: {  	(tag) =	ssettag $0x1  }
0x1: {  	s1 =	rddreg [dreg:$0x0]  }
0x2: {  	s2 =	rddreg [dreg:$0x1]  }
0x3: {  	s0 =	rddreg [dreg:$0x2];
	s3 =	srdreg.scid;
	s4 =	simm.s32 $0x0  }
0x4: {  	s8 =	simm.s32 $0x5;
	s9 =	simm.s32 $0x4;
	[dreg:$0x4] =	wrdreg s0  }
0x5: {  	s10 =	simm.s32 $0x0;
	s0 =	rddreg [dreg:$0x3];
	s5 =	sand.u32 $0x1, s3  }
0x6: {  	s3 =	stileid.u32;
	s6 =	ssub.s32 $0x2, s5;
	s5 =	sshll.u32 s5, $0x4  }
0x7: {  	v2 =	vlaneseq.u32;
	[smem:$0x7FF] =	sst s4;
	s7 =	sshrl.u32 s6, $0x1;
	s5 =	sor.u32 s3, s5  }
0x8: {  	vm0 =	vmmov $0xffff;
	v1 =	vshrl.u32 v2, $0x3;
	_ =	strace $0x80000047;
	s7 =	ssub.s32 s6, s7;
	s31 =	sshll.u32 s5, $0x8  }
0x9: {  	v0 =	vand.u32 $0x7, v2;
	v2 =	vor.u32 $0x8, v2;
	v1 =	vmul.u32 $0x8, v1;
	s5 =	sshll.u32 s5, $0x4;
	s6 =	sadd.s32 s2, s31;
	s7 =	smax.u32 s7, $0x1  }
.LBB2_1:
0xa: {  	_ =	strace $0x80000048;
	s11 =	simm.s32 $0x10  }
0xb: {  	s12 =	simm.s32 $0x0;
	s13 =	simm.s32 $0x0;
	s14 =	simm.s32 $0x0  }
0xc: {  	[tilespmem:s4], [sflag:$0x1] =	stream.linear.gather [hbm4b:s6+s4], $0x80, $0x200038;
	[tilespmem:$0x10100] =	vst v63  }
0xd: {  	s15 =	simm.s32 $0x0;
	s16 =	simm.s32 $0x1;
	_ =	strace $0x90000048  }
.LBB2_2:
0xe: {  	s17 =	smov.u32 s12;
	s12 =	sadd.s32 $0x1, s12  }
0xf: {  	p0 =	seq.s32 s12, $0x10  }
0x10: {  	s12 =	simm.s32 @p0 $0x0  }
0x11: {  	p6 =	sne.s32 s11, $0x1;
	p1 =	sne.s32 s17, s12  }
0x12: {  	p0 =	por !p6, !p1  }
0x13: {  	p0 =	por !p0, !p0  }
0x14: {  	s18 =	sadd.s32 @p0 s5, s12  }
0x15: {  	s19 =	sand.u32 @p0 $0x1, s16;
	s18 =	sshll.u32 @p0 s18, $0x4  }
0x16: {  	_ =	strace @p0 $0x80000049;
	s21 =	simm.s32 @p0 $0x0;
	s18 =	sand.u32 @p0 $0x1FFFFFF0, s18  }
0x17: {  	s20 =	sshll.u32 @p0 s19, $0x7;
	s19 =	sadd.s32 @p0 $0x1, s19;
	s18 =	sadd.s32 @p0 s2, s18  }
0x18: {  	[tilespmem:s20], [sflag:s19] =	stream.linear.gather @p0 [hbm4b:s18+s21], $0x80, $0x200038;
	[tilespmem:$0x10100] =	vst v63  }
0x19: {  	s24 =	sand.u32 $0x1, s15;
	_ =	strace @p0 $0x90000049  }
0x1a: {  	s18 =	sadd.s32 $0x1, s24;
	_ =	strace $0x8000004A  }
0x1b: {  	_ =	swait.ge [sflag:s18], $0x80  }
0x1c: {  	[sflag:s18] =	ssyncset.done $0x0  }
0x1d: {  	[sflag:s18] =	ssyncadd.s32 $0xFFFFFF80  }
0x1e: {  	s25 =	sshll.u32 s15, $0x7;
	_ =	strace $0x9000004A  }
0x1f: {  	s21 =	sand.u32 $0x80, s25;
	_ =	strace $0x8000004B  }
0x20: {  	v3 =	vld [tilespmem:s21+$0x0];
	_ =	sdelay $0x4  }
0x21: {  	v4 =	vshll.u32 v3, $0x1  }
0x22: {  	v3 =	vand.u32 $0x7, v3;
	v4 =	vand.u32 $0xFFFFFFF0, v4  }
0x23: {  	v3 =	vor.u32 v3, v4  }
0x24: {  	v4 =	vperm.xlane v3, v0;
	_ =	sdelay $0x1  }
0x25: {  	v3 =	vperm.xlane v3, v2;
	v4 =	vadd.s32 v1, v4;
	_ =	sdelay $0x1  }
0x26: {  	s18 =	sand.u32 $0x1, s14;
	v3 =	vadd.s32 v1, v3  }
0x27: {  	s20 =	sshll.u32 s18, $0xF  }
0x28: {  	s19 =	sor.u32 $0x100, s20  }
0x29: {  	[tilespmem:s19], [sflag:$0x5] =	stream.indirect_vreg.gather [hbm4b:s1+s4], $0x80, v4, vm0, $0x2000b8;
	[tilespmem:$0x10100] =	vst v63  }
0x2a: {  	s22 =	sor.u32 $0x900, s20  }
0x2b: {  	[tilespmem:s22], [sflag:$0x5] =	stream.indirect_vreg.gather [hbm4b:s1+s4], $0x80, v3, vm0, $0x2000b8;
	[tilespmem:$0x10100] =	vst v63  }
0x2c: {  	v3 =	vld [tilespmem:s21+$0x10];
	_ =	sdelay $0x4  }
0x2d: {  	v57 =	vshll.u32 v3, $0x1  }
0x2e: {  	v3 =	vand.u32 $0x7, v3;
	v4 =	vand.u32 $0xFFFFFFF0, v57  }
0x2f: {  	v3 =	vor.u32 v3, v4  }
0x30: {  	v4 =	vperm.xlane v3, v0;
	_ =	sdelay $0x1  }
0x31: {  	v3 =	vperm.xlane v3, v2;
	v4 =	vadd.s32 v1, v4;
	_ =	sdelay $0x1  }
0x32: {  	v3 =	vadd.s32 v1, v3;
	_ =	sdelay $0x1  }
0x33: {  	s26 =	sor.u32 $0x1100, s20  }
0x34: {  	[tilespmem:s26], [sflag:$0x5] =	stream.indirect_vreg.gather [hbm4b:s1+s4], $0x80, v4, vm0, $0x2000b8;
	[tilespmem:$0x10100] =	vst v63  }
0x35: {  	s28 =	sor.u32 $0x1900, s20  }
0x36: {  	[tilespmem:s28], [sflag:$0x5] =	stream.indirect_vreg.gather [hbm4b:s1+s4], $0x80, v3, vm0, $0x2000b8;
	[tilespmem:$0x10100] =	vst v63  }
0x37: {  	v3 =	vld [tilespmem:s21+$0x20];
	_ =	sdelay $0x4  }
0x38: {  	v58 =	vshll.u32 v3, $0x1  }
0x39: {  	v3 =	vand.u32 $0x7, v3;
	v4 =	vand.u32 $0xFFFFFFF0, v58  }
0x3a: {  	v3 =	vor.u32 v3, v4  }
0x3b: {  	v4 =	vperm.xlane v3, v0;
	_ =	sdelay $0x1  }
0x3c: {  	v3 =	vperm.xlane v3, v2;
	v4 =	vadd.s32 v1, v4;
	_ =	sdelay $0x1  }
0x3d: {  	v3 =	vadd.s32 v1, v3;
	_ =	sdelay $0x1  }
0x3e: {  	s29 =	sor.u32 $0x2100, s20  }
0x3f: {  	[tilespmem:s29], [sflag:$0x5] =	stream.indirect_vreg.gather [hbm4b:s1+s4], $0x80, v4, vm0, $0x2000b8;
	[tilespmem:$0x10100] =	vst v63  }
0x40: {  	s30 =	sor.u32 $0x2900, s20  }
0x41: {  	[tilespmem:s30], [sflag:$0x5] =	stream.indirect_vreg.gather [hbm4b:s1+s4], $0x80, v3, vm0, $0x2000b8;
	[tilespmem:$0x10100] =	vst v63  }
0x42: {  	v3 =	vld [tilespmem:s21+$0x30];
	_ =	sdelay $0x4  }
0x43: {  	v59 =	vshll.u32 v3, $0x1  }
0x44: {  	v3 =	vand.u32 $0x7, v3;
	v4 =	vand.u32 $0xFFFFFFF0, v59  }
0x45: {  	v3 =	vor.u32 v3, v4  }
0x46: {  	v4 =	vperm.xlane v3, v0;
	_ =	sdelay $0x1  }
0x47: {  	v3 =	vperm.xlane v3, v2;
	v4 =	vadd.s32 v1, v4;
	_ =	sdelay $0x1  }
0x48: {  	v3 =	vadd.s32 v1, v3;
	_ =	sdelay $0x1  }
0x49: {  	s31 =	sor.u32 $0x3100, s20  }
0x4a: {  	[tilespmem:s31], [sflag:$0x5] =	stream.indirect_vreg.gather [hbm4b:s1+s4], $0x80, v4, vm0, $0x2000b8;
	[tilespmem:$0x10100] =	vst v63  }
0x4b: {  	s23 =	sor.u32 $0x3900, s20  }
0x4c: {  	[tilespmem:s23], [sflag:$0x5] =	stream.indirect_vreg.gather [hbm4b:s1+s4], $0x80, v3, vm0, $0x2000b8;
	[tilespmem:$0x10100] =	vst v63  }
0x4d: {  	v3 =	vld [tilespmem:s21+$0x40];
	_ =	sdelay $0x4  }
0x4e: {  	v60 =	vshll.u32 v3, $0x1  }
0x4f: {  	v3 =	vand.u32 $0x7, v3;
	v4 =	vand.u32 $0xFFFFFFF0, v60  }
0x50: {  	v3 =	vor.u32 v3, v4  }
0x51: {  	v4 =	vperm.xlane v3, v0;
	_ =	sdelay $0x1  }
0x52: {  	v3 =	vperm.xlane v3, v2;
	v4 =	vadd.s32 v1, v4;
	_ =	sdelay $0x1  }
0x53: {  	v3 =	vadd.s32 v1, v3;
	_ =	sdelay $0x1  }
0x54: {  	s24 =	sor.u32 $0x4100, s20  }
0x55: {  	[tilespmem:s24], [sflag:$0x5] =	stream.indirect_vreg.gather [hbm4b:s1+s4], $0x80, v4, vm0, $0x2000b8;
	[tilespmem:$0x10100] =	vst v63  }
0x56: {  	s25 =	sor.u32 $0x4900, s20  }
0x57: {  	[tilespmem:s25], [sflag:$0x5] =	stream.indirect_vreg.gather [hbm4b:s1+s4], $0x80, v3, vm0, $0x2000b8;
	[tilespmem:$0x10100] =	vst v63  }
0x58: {  	v3 =	vld [tilespmem:s21+$0x50];
	_ =	sdelay $0x4  }
0x59: {  	v61 =	vshll.u32 v3, $0x1  }
0x5a: {  	v3 =	vand.u32 $0x7, v3;
	v4 =	vand.u32 $0xFFFFFFF0, v61  }
0x5b: {  	v3 =	vor.u32 v3, v4  }
0x5c: {  	v4 =	vperm.xlane v3, v0;
	_ =	sdelay $0x1  }
0x5d: {  	v3 =	vperm.xlane v3, v2;
	v4 =	vadd.s32 v1, v4;
	_ =	sdelay $0x1  }
0x5e: {  	v3 =	vadd.s32 v1, v3;
	_ =	sdelay $0x1  }
0x5f: {  	s26 =	sor.u32 $0x5100, s20  }
0x60: {  	[tilespmem:s26], [sflag:$0x5] =	stream.indirect_vreg.gather [hbm4b:s1+s4], $0x80, v4, vm0, $0x2000b8;
	[tilespmem:$0x10100] =	vst v63  }
0x61: {  	s28 =	sor.u32 $0x5900, s20  }
0x62: {  	[tilespmem:s28], [sflag:$0x5] =	stream.indirect_vreg.gather [hbm4b:s1+s4], $0x80, v3, vm0, $0x2000b8;
	[tilespmem:$0x10100] =	vst v63  }
0x63: {  	v3 =	vld [tilespmem:s21+$0x60];
	_ =	sdelay $0x4  }
0x64: {  	v62 =	vshll.u32 v3, $0x1  }
0x65: {  	v3 =	vand.u32 $0x7, v3;
	v4 =	vand.u32 $0xFFFFFFF0, v62  }
0x66: {  	v3 =	vor.u32 v3, v4  }
0x67: {  	v4 =	vperm.xlane v3, v0;
	_ =	sdelay $0x1  }
0x68: {  	v3 =	vperm.xlane v3, v2;
	v4 =	vadd.s32 v1, v4;
	_ =	sdelay $0x1  }
0x69: {  	v3 =	vadd.s32 v1, v3;
	_ =	sdelay $0x1  }
0x6a: {  	s29 =	sor.u32 $0x6100, s20  }
0x6b: {  	[tilespmem:s29], [sflag:$0x5] =	stream.indirect_vreg.gather [hbm4b:s1+s4], $0x80, v4, vm0, $0x2000b8;
	[tilespmem:$0x10100] =	vst v63  }
0x6c: {  	s30 =	sor.u32 $0x6900, s20  }
0x6d: {  	[tilespmem:s30], [sflag:$0x5] =	stream.indirect_vreg.gather [hbm4b:s1+s4], $0x80, v3, vm0, $0x2000b8;
	[tilespmem:$0x10100] =	vst v63  }
0x6e: {  	v3 =	vld [tilespmem:s21+$0x70];
	_ =	sdelay $0x4  }
0x6f: {  	v63 =	vshll.u32 v3, $0x1  }
0x70: {  	v3 =	vand.u32 $0x7, v3;
	v4 =	vand.u32 $0xFFFFFFF0, v63  }
0x71: {  	v3 =	vor.u32 v3, v4  }
0x72: {  	v4 =	vperm.xlane v3, v0;
	_ =	sdelay $0x1  }
0x73: {  	v3 =	vperm.xlane v3, v2;
	v4 =	vadd.s32 v1, v4;
	_ =	sdelay $0x1  }
0x74: {  	v3 =	vadd.s32 v1, v3;
	_ =	sdelay $0x1  }
0x75: {  	s31 =	sor.u32 $0x7100, s20  }
0x76: {  	[tilespmem:s31], [sflag:$0x5] =	stream.indirect_vreg.gather [hbm4b:s1+s4], $0x80, v4, vm0, $0x2000b8;
	[tilespmem:$0x10100] =	vst v63  }
0x77: {  	s20 =	sor.u32 $0x7900, s20  }
0x78: {  	[tilespmem:s20], [sflag:$0x5] =	stream.indirect_vreg.gather [hbm4b:s1+s4], $0x80, v3, vm0, $0x2000b8;
	[tilespmem:$0x10100] =	vst v63  }
0x79: {  	_ =	swait.ge [sflag:s8], $0x8000  }
0x7a: {  	p2 =	seq.s32 s11, $0x1;
	[sflag:s8] =	ssyncset.done $0x0  }
0x7b: {  	s17 =	sadd.s32 s5, s17;
	p1 =	por p2, p1;
	[sflag:s8] =	ssyncadd.s32 $0xFFFF8000  }
0x7c: {  	s17 =	sshll.u32 @p1 s17, $0xC;
	_ =	strace $0x9000004B  }
0x7d: {  	s17 =	sand.u32 @p1 $0x1FFFF000, s17;
	s21 =	simm.s32 $0x1;
	_ =	strace @p1 $0x8000004C  }
0x7e: {  	s18 =	sadd.s32 @p1 $0x3, s18;
	s21 =	simm.s32 @!p0 $0x0;
	s20 =	rddreg [dreg:$0x4]  }
0x7f: {  	p0 =	seq.s32 s11, $0x10;
	s17 =	sadd.s32 @p1 s20, s17;
	s20 =	simm.s32 @p1 $0x0  }
0x80: {  	[hbm4b:s17+s20] =	stream.linear.scatter @p1 [tilespmem:s19], [sflag:s18], $0x8000, $0x200038;
	[tilespmem:$0x10100] =	vst v63  }
0x81: {  	s17 =	simm.s32 $0x1;
	s19 =	simm.s32 $0x1;
	_ =	strace @p1 $0x9000004C  }
0x82: {  	s17 =	simm.s32 @!p1 $0x0;
	p1 =	sne.s32 s11, $0x10;
	s11 =	sadd.s32 $0xFFFFFFFF, s11  }
0x83: {  	s18 =	sand.u32 @!p0 $0x1, s13;
	s19 =	simm.s32 @!p1 $0x0;
	p1 =	sne.s32 s11, $0x0  }
.Ltmp0:
0x84: {  	s18 =	sadd.s32 @!p0 $0x3, s18;
	_ =	strace @!p0 $0x8000004D;
	(pc) =	sbr.rel @p1 .LBB2_2-.Ltmp0, $4  }
0x85: {  	_ =	swait.ge @!p0 [sflag:s18], $0x8000  }
0x86: {  	[sflag:s18] =	ssyncset.done @!p0 $0x0  }
0x87: {  	s16 =	sadd.s32 s21, s16;
	s14 =	sadd.s32 s17, s14;
	[sflag:s18] =	ssyncadd.s32 @!p0 $0xFFFF8000  }
0x88: {  	s15 =	sadd.s32 s17, s15;
	s13 =	sadd.s32 s19, s13;
	_ =	strace @!p0 $0x9000004D  }
0x89: {  	s10 =	sadd.s32 $0x1, s10  }
0x8a: {  	p0 =	sne.s32 s10, s7  }
.Ltmp1:
0x8b: {  	_ =	strace $0x8000004E;
	(pc) =	sbr.rel @p0 .LBB2_1-.Ltmp1, $4  }
0x8c: {  	_ =	swait.ge [sflag:s9], $0x8000  }
0x8d: {  	[sflag:s9] =	ssyncset.done $0x0  }
0x8e: {  	[sflag:s9] =	ssyncadd.s32 $0xFFFF8000  }
0x8f: {  	_ =	strace $0x9000004E  }
0x90: {  	_ =	sfence.sel $0x180000  }
0x91: {  	[bflag:$0x0] =	sbarrier.arrive $0xFFFF  }
0x92: {  	p0 =	sne.s32 s3, $0x0;
	_ =	strace $0x90000047  }
0x93: {  	s0 =	sadd.s32 @!p0 $0x100000, s0;
	[bflag:$0x2] =	sbarrier.arrive $0xFFFF  }
0x94: {  	[sflag:s0] =	ssyncadd.tile.s32 @!p0 $0x1;
	_ =	shalt  }
.Lfunc_end2:
_tile_overlayer_lowered:
.L_overlay_start_2:
0x95: {  	(tag) =	ssettag $0x2  }
0x96: {  	s0 =	rddreg [dreg:$0x0];
	s2 =	stileid.u32  }
0x97: {  	s1 =	rddreg [dreg:$0x1];
	p0 =	sne.s32 s2, $0x0  }
0x98: {  	s3 =	rddreg [dreg:$0x2];
	[bflag:$0x3] =	sbarrier.arrive $0xFFFF;
	s2 =	simm.s32 @!p0 $0x1C01  }
0x99: {  	[timem:s3], [sflag:s2] =	dma.local @!p0 [hbm:s0], s1  }
0x9a: {  	s0 =	simm.s32 @!p0 $0x1  }
0x9b: {  	_ =	swait.ge @!p0 [sflag:s0], s1  }
0x9c: {  	s1 =	ssub.s32 @!p0 $0x0, s1;
	[sflag:s0] =	ssyncset.done @!p0 $0x0  }
0x9d: {  	[sflag:s0] =	ssyncadd.s32 @!p0 s1  }
0x9e: {  	[bflag:$0x3] =	sbarrier.arrive $0xFFFF  }
0x9f: {  	_ =	shalt  }

</sc_bundles>
